<compile_context>
chip_gen: v7x
topology: tpu7x:2x2x1
jax: 0.10.2.dev20260603
libtpu: 0.0.44.dev20260713+nightly
codegen_flags: <defaults>
</compile_context>

<pallas_src>
import functools

import jax
import jax.numpy as jnp
from jax import lax
from jax.experimental import pallas as pl
from jax.experimental.pallas import tpu as pltpu
from jax.experimental.pallas import tpu_sc as plsc

B = 16384
NUM_DENSE = 13
NF = 26
NG = 1
NF_G = NF // NG
VOCAB = 100000
EMB = 32
HIDDEN0 = 256

VCAP = 106496
TR_CHUNK = 8192

NC, NS = 2, 16
NW = NC * NS
SUBS = 8
CHUNK = SUBS * 128


def _tc_transpose(tables_t, fbase):

    q = TR_CHUNK // 8

    def body(*refs):
        out_ref = refs[-1]
        z = jnp.concatenate([r[0] for r in refs[:-1]], axis=0)
        zp = pltpu.bitcast(z.astype(jnp.bfloat16), jnp.float32)
        out_ref[...] = jnp.transpose(zp, (1, 0))

    last_blk = (VOCAB - 1) // q

    def in_spec(j):
        return pl.BlockSpec(
            (1, EMB, q),
            lambda f, c, j=j: (f + fbase, 0, jnp.minimum(8 * c + j, last_blk)))

    return pl.pallas_call(
        body,
        grid=(NF_G, VCAP // TR_CHUNK),
        in_specs=[in_spec(j) for j in range(8)],
        out_specs=pl.BlockSpec((q, 128),
                               lambda f, c: (f * (VCAP // TR_CHUNK) + c, 0)),
        out_shape=jax.ShapeDtypeStruct((NF_G * VCAP // 8, 128), jnp.float32),
    )(*([tables_t] * 8))


def _sc_gather(sparse2d, tables_flat, gname):
    rows = B * NF_G
    rw = rows // NW
    idx_rows = rw // 128
    nchunk = rw // CHUNK
    mesh = plsc.VectorSubcoreMesh(core_axis_name="c", subcore_axis_name="s")

    @functools.partial(
        pl.kernel,
        out_type=jax.ShapeDtypeStruct((rows, 16), jnp.float32),
        name=gname,
        mesh=mesh,
        compiler_params=pltpu.CompilerParams(use_tc_tiling_on_sc=False),
        scratch_types=[
            pltpu.VMEM((idx_rows, 128), jnp.int32),
            pltpu.VMEM((CHUNK, 16), jnp.float32),
            pltpu.VMEM((CHUNK, 16), jnp.float32),
            pltpu.SemaphoreType.DMA,
            pltpu.SemaphoreType.DMA,
        ],
    )
    def k(sparse_hbm, tables_hbm, out_hbm, idx_v, rows_a, rows_b, sem_a,
          sem_b):
        wid = lax.axis_index("s") * NC + lax.axis_index("c")
        base = wid * rw

        pltpu.sync_copy(sparse_hbm.at[pl.ds(wid * idx_rows, idx_rows)], idx_v)

        def row_body(i, carry):
            for j in range(128 // 16):
                g0 = base + i * 128 + j * 16
                lanes = g0 + lax.iota(jnp.int32, 16)
                off = (lanes % NF_G) * VCAP
                sl = pl.ds(j * 16, 16)
                v = idx_v[i, sl]
                p = (((v >> 13) << 13) + ((v & 1023) << 3) + ((v >> 10) & 7))
                idx_v[i, sl] = off + p
            return carry

        lax.fori_loop(0, idx_rows, row_body, 0)

        def fire(c, buf, sem):
            for s in range(SUBS):
                pltpu.async_copy(
                    tables_hbm.at[idx_v.at[c * SUBS + s]],
                    buf.at[pl.ds(s * 128, 128)],
                    sem,
                )

        def drain(buf, sem):
            for s in range(SUBS):
                pltpu.make_async_copy(
                    tables_hbm.at[pl.ds(0, 128)],
                    buf.at[pl.ds(s * 128, 128)],
                    sem,
                ).wait()

        def write(c, buf):
            pltpu.sync_copy(buf, out_hbm.at[pl.ds(base + c * CHUNK, CHUNK)])

        fire(0, rows_a, sem_a)

        def pair_body(i, carry):
            c0 = 2 * i
            fire(c0 + 1, rows_b, sem_b)
            drain(rows_a, sem_a)
            write(c0, rows_a)
            fire(c0 + 2, rows_a, sem_a)
            drain(rows_b, sem_b)
            write(c0 + 1, rows_b)
            return carry

        lax.fori_loop(0, (nchunk - 1) // 2, pair_body, 0)
        drain(rows_a, sem_a)
        write(nchunk - 1, rows_a)

    return k(sparse2d, tables_flat)


def _mlp(embeds, dense_pad, w0s, w0d, b0, w1, b1, w2, b2, bs=1024):
    h0 = b0.shape[-1]
    h1 = b1.shape[-1]
    h2 = b2.shape[-1]
    ne = len(embeds)
    de = embeds[0].shape[-1]
    dd = dense_pad.shape[-1]

    def body(*refs):
        e_refs = refs[:ne]
        d_ref = refs[ne]
        w_refs = refs[ne + 1: ne + 1 + 2 * ne]
        w0d_ref, b0_ref, w1_ref, b1_ref, w2_ref, b2_ref, out_ref = \
            refs[ne + 1 + 2 * ne:]
        x = jnp.dot(d_ref[...], w0d_ref[...],
                    preferred_element_type=jnp.float32)
        for g, e_ref in enumerate(e_refs):
            u = pltpu.bitcast(e_ref[...], jnp.bfloat16)
            u3 = u.reshape(bs, 2, de)
            x = x + jnp.dot(u3[:, 0, :], w_refs[2 * g][...],
                            preferred_element_type=jnp.float32)
            x = x + jnp.dot(u3[:, 1, :], w_refs[2 * g + 1][...],
                            preferred_element_type=jnp.float32)
        x = jnp.maximum(x + b0_ref[...], 0.0)
        x = jnp.maximum(
            jnp.dot(x, w1_ref[...], preferred_element_type=jnp.float32)
            + b1_ref[...], 0.0)
        x = jnp.maximum(
            jnp.dot(x, w2_ref[...], preferred_element_type=jnp.float32)
            + b2_ref[...], 0.0)
        out_ref[...] = x

    def full(shape):
        return pl.BlockSpec(shape, lambda i: tuple(0 for _ in shape))

    return pl.pallas_call(
        body,
        grid=(B // bs,),
        in_specs=(
            [pl.BlockSpec((bs, de), lambda i: (i, 0)) for _ in range(ne)]
            + [pl.BlockSpec((bs, dd), lambda i: (i, 0))]
            + [full((de, h0)) for _ in range(2 * ne)]
            + [full((dd, h0)), full((1, h0)), full((h0, h1)), full((1, h1)),
               full((h1, h2)), full((1, h2))]
        ),
        out_specs=pl.BlockSpec((bs, h2), lambda i: (i, 0)),
        out_shape=jax.ShapeDtypeStruct((B, h2), jnp.float32),
    )(*embeds, dense_pad, *w0s, w0d, b0.reshape(1, h0), w1,
      b1.reshape(1, h1), w2, b2.reshape(1, h2))


def kernel(dense_inputs, sparse_inputs, tables, W0, b0, W1, b1, W2, b2):
    sparse_i = sparse_inputs.astype(jnp.int32)
    tables_t = jnp.transpose(tables, (0, 2, 1))

    embeds = []
    for g in range(NG):
        sp = sparse_i[:, g * NF_G:(g + 1) * NF_G].reshape(-1, 128)
        packed = _tc_transpose(tables_t, g * NF_G)
        raw = _sc_gather(sp, packed.reshape(NF_G * VCAP, 16),
                         f"sc_embed_gather{g}")
        embeds.append(raw.reshape(B, NF_G * 16))

    dense_pad = jnp.pad(dense_inputs, ((0, 0), (0, 128 - NUM_DENSE)))
    w0d = jnp.pad(W0[:NUM_DENSE], ((0, 128 - NUM_DENSE), (0, 0)))
    w0s = []
    for g in range(NG):
        w0g = W0[NUM_DENSE + g * NF_G * EMB: NUM_DENSE + (g + 1) * NF_G * EMB]
        w0g3 = w0g.reshape(NF_G * 16, 2, HIDDEN0)
        w0s.append(w0g3[:, 0, :].astype(jnp.bfloat16))
        w0s.append(w0g3[:, 1, :].astype(jnp.bfloat16))
    return _mlp(embeds, dense_pad, w0s, w0d, b0, W1, b1, W2, b2)

# --- scband reference (transcript-rebuilt; emitter-appended) ---
"""Pipeline reference for scband-youtube-recall-model-7945689497611 (READ-ONLY COPY).

The authoritative reference and input builder live on the scoring server;
editing this copy changes nothing except your own understanding.
"""

import jax, jax.numpy as jnp
import numpy as np

B = 16384
NUM_DENSE = 13
NUM_SPARSE = 26
VOCAB = 100000
EMB = 32
HIDDEN = [256, 128, 64]


def setup_inputs(seed: int = 0) -> dict:
    key = jax.random.key(seed)
    ks = jax.random.split(key, 10)
    dense_inputs = jax.random.normal(ks[0], (B, NUM_DENSE), dtype=jnp.float32)
    sparse_inputs = jax.random.randint(ks[1], (B, NUM_SPARSE), 0, VOCAB)
    # one embedding table per sparse field, stacked: [NUM_SPARSE, VOCAB, EMB]
    tables = jax.random.uniform(ks[2], (NUM_SPARSE, VOCAB, EMB), minval=-0.05, maxval=0.05, dtype=jnp.float32)
    d_in = NUM_DENSE + NUM_SPARSE * EMB
    dims = [d_in] + HIDDEN
    W0 = jax.random.normal(ks[3], (dims[0], dims[1]), dtype=jnp.float32) * (1.0 / np.sqrt(dims[0]))
    b0 = jnp.zeros((dims[1],), dtype=jnp.float32)
    W1 = jax.random.normal(ks[4], (dims[1], dims[2]), dtype=jnp.float32) * (1.0 / np.sqrt(dims[1]))
    b1 = jnp.zeros((dims[2],), dtype=jnp.float32)
    W2 = jax.random.normal(ks[5], (dims[2], dims[3]), dtype=jnp.float32) * (1.0 / np.sqrt(dims[2]))
    b2 = jnp.zeros((dims[3],), dtype=jnp.float32)
    return {"dense_inputs": dense_inputs, "sparse_inputs": sparse_inputs, "tables": tables,
            "W0": W0, "b0": b0, "W1": W1, "b1": b1, "W2": W2, "b2": b2}


def reference(dense_inputs, sparse_inputs, tables, W0, b0, W1, b1, W2, b2):
    # per-field embedding lookup then concat along feature axis (mirrors the keras loop)
    embeds = [jnp.take(tables[i], sparse_inputs[:, i], axis=0) for i in range(NUM_SPARSE)]
    sparse_embed = jnp.concatenate(embeds, axis=-1)  # [B, NUM_SPARSE*EMB]
    stack = jnp.concatenate([dense_inputs, sparse_embed], axis=-1)
    x = jax.nn.relu(stack @ W0 + b0)
    x = jax.nn.relu(x @ W1 + b1)
    x = jax.nn.relu(x @ W2 + b2)
    return x

if __name__ == "__main__":
    import jax
    _d = setup_inputs()
    print(jax.jit(kernel)(*tuple(_d.values())))

</pallas_src>

<mosaic_0001>
#map = affine_map<(d0, d1) -> (0, 0)>
module attributes {stable_mosaic.version = 14 : i64} {
  func.func @sc_embed_gather0(%arg0: i32, %arg1: i32, %arg2: memref<3328x128xi32, #tpu.memory_space<hbm>>, %arg3: memref<2768896x16xf32, #tpu.memory_space<hbm>>, %arg4: memref<425984x16xf32, #tpu.memory_space<hbm>>, %arg5: memref<104x128xi32, #tpu.memory_space<vmem>>, %arg6: memref<1024x16xf32, #tpu.memory_space<vmem>>, %arg7: memref<1024x16xf32, #tpu.memory_space<vmem>>, %arg8: memref<!tpu.dma_semaphore, #tpu.memory_space<semaphore_mem>>, %arg9: memref<!tpu.dma_semaphore, #tpu.memory_space<semaphore_mem>>) attributes {dimension_semantics = [#tpu.dimension_semantics<core_parallel>, #tpu.dimension_semantics<subcore_parallel>], iteration_bounds = array<i64: 2, 16>, scalar_prefetch = 0 : i64, scratch_operands = 5 : i64, tpu.core_type = #tpu.core_type<sc_vector_subcore>, window_params = [{transform_indices = #map}, {transform_indices = #map}, {transform_indices = #map}]} {
    %mul3A = arith.constant 2 : i32
    %mul3A_0 = arith.muli %arg1, %mul3A : i32
    %add3A = arith.addi %mul3A_0, %arg0 : i32
    %mul3A_1 = arith.constant 13312 : i32
    %mul3A_2 = arith.muli %add3A, %mul3A_1 : i32
    %mul3A_3 = arith.constant 104 : i32
    %mul3A_4 = arith.muli %add3A, %mul3A_3 : i32
    "tpu.region"() ({
      %run_scoped3A = tpu.sem_alloc : memref<!tpu.dma_semaphore, #tpu.memory_space<semaphore_mem>>
      %dma_start3A_192 = arith.constant 0 : i32
      %dma_start3A_193 = tpu.memref_slice %arg2[%mul3A_4, %dma_start3A_192] : memref<3328x128xi32, #tpu.memory_space<hbm>> -> memref<104x128xi32, #tpu.memory_space<hbm>>
      %dma_start3A_194 = arith.constant 0 : i32
      %dma_start3A_195 = tpu.memref_slice %arg2[%mul3A_4, %dma_start3A_194] : memref<3328x128xi32, #tpu.memory_space<hbm>> -> memref<104x128xi32, #tpu.memory_space<hbm>>
      tpu.enqueue_dma source(%dma_start3A_195 : memref<104x128xi32, #tpu.memory_space<hbm>>) target(%arg5 : memref<104x128xi32, #tpu.memory_space<vmem>>) target_semaphore(%run_scoped3A : memref<!tpu.dma_semaphore, #tpu.memory_space<semaphore_mem>>)
      %dma_wait3A_196 = arith.constant 0 : i32
      %dma_wait3A_197 = tpu.memref_slice %arg2[%mul3A_4, %dma_wait3A_196] : memref<3328x128xi32, #tpu.memory_space<hbm>> -> memref<104x128xi32, #tpu.memory_space<hbm>>
      %dma_wait3A_198 = arith.constant 0 : i32
      %dma_wait3A_199 = tpu.memref_slice %arg2[%mul3A_4, %dma_wait3A_198] : memref<3328x128xi32, #tpu.memory_space<hbm>> -> memref<104x128xi32, #tpu.memory_space<hbm>>
      tpu.wait_dma2 semaphore(%run_scoped3A : memref<!tpu.dma_semaphore, #tpu.memory_space<semaphore_mem>>) src(%dma_wait3A_199 : memref<104x128xi32, #tpu.memory_space<hbm>>) dst(%arg5 : memref<104x128xi32, #tpu.memory_space<vmem>>)
      tpu.yield
    }) : () -> ()
    %scan3A = arith.constant 0 : i32
    %scan3A_5 = arith.constant 0 : i32
    %scan3A_6 = arith.constant 104 : i32
    %scan3A_7 = arith.addi %scan3A_5, %scan3A_6 : i32
    %scan3A_8 = arith.constant 1 : i32
    scf.for %scan3A_192 = %scan3A_5 to %scan3A_7 step %scan3A_8  : i32 {
      %mul3A_193 = arith.constant 128 : i32
      %mul3A_194 = arith.muli %scan3A_192, %mul3A_193 : i32
      %add3A_195 = arith.addi %mul3A_2, %mul3A_194 : i32
      %add3A_196 = arith.constant 0 : i32
      %add3A_197 = arith.addi %add3A_195, %add3A_196 : i32
      %iota3A = tpu.iota {dimensions = array<i32: 0>} : vector<16xi32>
      %add3A_198 = vector.broadcast %add3A_197 : i32 to vector<16xi32>
      %add3A_199 = arith.addi %add3A_198, %iota3A : vector<16xi32>
      %jit3A = arith.constant 26 : i32
      %eq3A = arith.constant 0 : i32
      %eq3A_200 = arith.cmpi eq, %jit3A, %eq3A : i32
      %jit3A_201 = arith.constant 1 : i32
      %select_n3A = arith.select %eq3A_200, %jit3A_201, %jit3A : i32
      %rem3A = vector.broadcast %select_n3A : i32 to vector<16xi32>
      %rem3A_202 = arith.remsi %add3A_199, %rem3A : vector<16xi32>
      %ne3A = arith.constant 0 : i32
      %ne3A_203 = vector.broadcast %ne3A : i32 to vector<16xi32>
      %ne3A_204 = arith.cmpi ne, %rem3A_202, %ne3A_203 : vector<16xi32>
      %lt3A = arith.constant 0 : i32
      %lt3A_205 = vector.broadcast %lt3A : i32 to vector<16xi32>
      %lt3A_206 = arith.cmpi slt, %rem3A_202, %lt3A_205 : vector<16xi32>
      %lt3A_207 = arith.constant 0 : i32
      %lt3A_208 = arith.cmpi slt, %select_n3A, %lt3A_207 : i32
      %ne3A_209 = vector.broadcast %lt3A_208 : i1 to vector<16xi1>
      %ne3A_210 = vector.broadcast %ne3A_209 : vector<16xi1> to vector<16xi1>
      %ne3A_211 = arith.xori %lt3A_206, %ne3A_210 : vector<16xi1>
      %and3A = arith.andi %ne3A_211, %ne3A_204 : vector<16xi1>
      %add3A_212 = vector.broadcast %select_n3A : i32 to vector<16xi32>
      %add3A_213 = arith.addi %rem3A_202, %add3A_212 : vector<16xi32>
      %select_n3A_214 = arith.select %and3A, %add3A_213, %rem3A_202 : vector<16xi1>, vector<16xi32>
      %mul3A_215 = arith.constant 106496 : i32
      %mul3A_216 = vector.broadcast %mul3A_215 : i32 to vector<16xi32>
      %mul3A_217 = arith.muli %select_n3A_214, %mul3A_216 : vector<16xi32>
      %get3A = arith.index_cast %scan3A_192 : i32 to index
      %get3A_218 = arith.constant 0 : index
      %get3A_219 = tpu.vector_load %arg5[%get3A, %get3A_218] {strides = array<i32>} : memref<104x128xi32, #tpu.memory_space<vmem>>, vector<1x16xi32>,
      %get3A_220 = vector.shape_cast %get3A_219 : vector<1x16xi32> to vector<16xi32>
      %shift_right_arithmetic3A = arith.constant 13 : i32
      %shift_right_arithmetic3A_221 = vector.broadcast %shift_right_arithmetic3A : i32 to vector<16xi32>
      %shift_right_arithmetic3A_222 = arith.shrsi %get3A_220, %shift_right_arithmetic3A_221 : vector<16xi32>
      %shift_left3A = arith.constant 13 : i32
      %shift_left3A_223 = vector.broadcast %shift_left3A : i32 to vector<16xi32>
      %shift_left3A_224 = arith.shli %shift_right_arithmetic3A_222, %shift_left3A_223 : vector<16xi32>
      %and3A_225 = arith.constant 1023 : i32
      %and3A_226 = vector.broadcast %and3A_225 : i32 to vector<16xi32>
      %and3A_227 = arith.andi %get3A_220, %and3A_226 : vector<16xi32>
      %shift_left3A_228 = arith.constant 3 : i32
      %shift_left3A_229 = vector.broadcast %shift_left3A_228 : i32 to vector<16xi32>
      %shift_left3A_230 = arith.shli %and3A_227, %shift_left3A_229 : vector<16xi32>
      %add3A_231 = arith.addi %shift_left3A_224, %shift_left3A_230 : vector<16xi32>
      %shift_right_arithmetic3A_232 = arith.constant 10 : i32
      %shift_right_arithmetic3A_233 = vector.broadcast %shift_right_arithmetic3A_232 : i32 to vector<16xi32>
      %shift_right_arithmetic3A_234 = arith.shrsi %get3A_220, %shift_right_arithmetic3A_233 : vector<16xi32>
      %and3A_235 = arith.constant 7 : i32
      %and3A_236 = vector.broadcast %and3A_235 : i32 to vector<16xi32>
      %and3A_237 = arith.andi %shift_right_arithmetic3A_234, %and3A_236 : vector<16xi32>
      %add3A_238 = arith.addi %add3A_231, %and3A_237 : vector<16xi32>
      %add3A_239 = arith.addi %mul3A_217, %add3A_238 : vector<16xi32>
      %swap3A = arith.index_cast %scan3A_192 : i32 to index
      %swap3A_240 = arith.constant 0 : index
      %swap3A_241 = tpu.vector_load %arg5[%swap3A, %swap3A_240] {strides = array<i32>} : memref<104x128xi32, #tpu.memory_space<vmem>>, vector<1x16xi32>,
      %swap3A_242 = vector.shape_cast %swap3A_241 : vector<1x16xi32> to vector<16xi32>
      %swap3A_243 = vector.shape_cast %add3A_239 : vector<16xi32> to vector<1x16xi32>
      tpu.vector_store %arg5[%swap3A, %swap3A_240], %swap3A_243 {strides = array<i32>} : memref<104x128xi32, #tpu.memory_space<vmem>>, vector<1x16xi32>,
      %mul3A_244 = arith.constant 128 : i32
      %mul3A_245 = arith.muli %scan3A_192, %mul3A_244 : i32
      %add3A_246 = arith.addi %mul3A_2, %mul3A_245 : i32
      %add3A_247 = arith.constant 16 : i32
      %add3A_248 = arith.addi %add3A_246, %add3A_247 : i32
      %iota3A_249 = tpu.iota {dimensions = array<i32: 0>} : vector<16xi32>
      %add3A_250 = vector.broadcast %add3A_248 : i32 to vector<16xi32>
      %add3A_251 = arith.addi %add3A_250, %iota3A_249 : vector<16xi32>
      %jit3A_252 = arith.constant 26 : i32
      %eq3A_253 = arith.constant 0 : i32
      %eq3A_254 = arith.cmpi eq, %jit3A_252, %eq3A_253 : i32
      %jit3A_255 = arith.constant 1 : i32
      %select_n3A_256 = arith.select %eq3A_254, %jit3A_255, %jit3A_252 : i32
      %rem3A_257 = vector.broadcast %select_n3A_256 : i32 to vector<16xi32>
      %rem3A_258 = arith.remsi %add3A_251, %rem3A_257 : vector<16xi32>
      %ne3A_259 = arith.constant 0 : i32
      %ne3A_260 = vector.broadcast %ne3A_259 : i32 to vector<16xi32>
      %ne3A_261 = arith.cmpi ne, %rem3A_258, %ne3A_260 : vector<16xi32>
      %lt3A_262 = arith.constant 0 : i32
      %lt3A_263 = vector.broadcast %lt3A_262 : i32 to vector<16xi32>
      %lt3A_264 = arith.cmpi slt, %rem3A_258, %lt3A_263 : vector<16xi32>
      %lt3A_265 = arith.constant 0 : i32
      %lt3A_266 = arith.cmpi slt, %select_n3A_256, %lt3A_265 : i32
      %ne3A_267 = vector.broadcast %lt3A_266 : i1 to vector<16xi1>
      %ne3A_268 = vector.broadcast %ne3A_267 : vector<16xi1> to vector<16xi1>
      %ne3A_269 = arith.xori %lt3A_264, %ne3A_268 : vector<16xi1>
      %and3A_270 = arith.andi %ne3A_269, %ne3A_261 : vector<16xi1>
      %add3A_271 = vector.broadcast %select_n3A_256 : i32 to vector<16xi32>
      %add3A_272 = arith.addi %rem3A_258, %add3A_271 : vector<16xi32>
      %select_n3A_273 = arith.select %and3A_270, %add3A_272, %rem3A_258 : vector<16xi1>, vector<16xi32>
      %mul3A_274 = arith.constant 106496 : i32
      %mul3A_275 = vector.broadcast %mul3A_274 : i32 to vector<16xi32>
      %mul3A_276 = arith.muli %select_n3A_273, %mul3A_275 : vector<16xi32>
      %get3A_277 = arith.index_cast %scan3A_192 : i32 to index
      %get3A_278 = arith.constant 16 : index
      %get3A_279 = tpu.vector_load %arg5[%get3A_277, %get3A_278] {strides = array<i32>} : memref<104x128xi32, #tpu.memory_space<vmem>>, vector<1x16xi32>,
      %get3A_280 = vector.shape_cast %get3A_279 : vector<1x16xi32> to vector<16xi32>
      %shift_right_arithmetic3A_281 = arith.constant 13 : i32
      %shift_right_arithmetic3A_282 = vector.broadcast %shift_right_arithmetic3A_281 : i32 to vector<16xi32>
      %shift_right_arithmetic3A_283 = arith.shrsi %get3A_280, %shift_right_arithmetic3A_282 : vector<16xi32>
      %shift_left3A_284 = arith.constant 13 : i32
      %shift_left3A_285 = vector.broadcast %shift_left3A_284 : i32 to vector<16xi32>
      %shift_left3A_286 = arith.shli %shift_right_arithmetic3A_283, %shift_left3A_285 : vector<16xi32>
      %and3A_287 = arith.constant 1023 : i32
      %and3A_288 = vector.broadcast %and3A_287 : i32 to vector<16xi32>
      %and3A_289 = arith.andi %get3A_280, %and3A_288 : vector<16xi32>
      %shift_left3A_290 = arith.constant 3 : i32
      %shift_left3A_291 = vector.broadcast %shift_left3A_290 : i32 to vector<16xi32>
      %shift_left3A_292 = arith.shli %and3A_289, %shift_left3A_291 : vector<16xi32>
      %add3A_293 = arith.addi %shift_left3A_286, %shift_left3A_292 : vector<16xi32>
      %shift_right_arithmetic3A_294 = arith.constant 10 : i32
      %shift_right_arithmetic3A_295 = vector.broadcast %shift_right_arithmetic3A_294 : i32 to vector<16xi32>
      %shift_right_arithmetic3A_296 = arith.shrsi %get3A_280, %shift_right_arithmetic3A_295 : vector<16xi32>
      %and3A_297 = arith.constant 7 : i32
      %and3A_298 = vector.broadcast %and3A_297 : i32 to vector<16xi32>
      %and3A_299 = arith.andi %shift_right_arithmetic3A_296, %and3A_298 : vector<16xi32>
      %add3A_300 = arith.addi %add3A_293, %and3A_299 : vector<16xi32>
      %add3A_301 = arith.addi %mul3A_276, %add3A_300 : vector<16xi32>
      %swap3A_302 = arith.index_cast %scan3A_192 : i32 to index
      %swap3A_303 = arith.constant 16 : index
      %swap3A_304 = tpu.vector_load %arg5[%swap3A_302, %swap3A_303] {strides = array<i32>} : memref<104x128xi32, #tpu.memory_space<vmem>>, vector<1x16xi32>,
      %swap3A_305 = vector.shape_cast %swap3A_304 : vector<1x16xi32> to vector<16xi32>
      %swap3A_306 = vector.shape_cast %add3A_301 : vector<16xi32> to vector<1x16xi32>
      tpu.vector_store %arg5[%swap3A_302, %swap3A_303], %swap3A_306 {strides = array<i32>} : memref<104x128xi32, #tpu.memory_space<vmem>>, vector<1x16xi32>,
      %mul3A_307 = arith.constant 128 : i32
      %mul3A_308 = arith.muli %scan3A_192, %mul3A_307 : i32
      %add3A_309 = arith.addi %mul3A_2, %mul3A_308 : i32
      %add3A_310 = arith.constant 32 : i32
      %add3A_311 = arith.addi %add3A_309, %add3A_310 : i32
      %iota3A_312 = tpu.iota {dimensions = array<i32: 0>} : vector<16xi32>
      %add3A_313 = vector.broadcast %add3A_311 : i32 to vector<16xi32>
      %add3A_314 = arith.addi %add3A_313, %iota3A_312 : vector<16xi32>
      %jit3A_315 = arith.constant 26 : i32
      %eq3A_316 = arith.constant 0 : i32
      %eq3A_317 = arith.cmpi eq, %jit3A_315, %eq3A_316 : i32
      %jit3A_318 = arith.constant 1 : i32
      %select_n3A_319 = arith.select %eq3A_317, %jit3A_318, %jit3A_315 : i32
      %rem3A_320 = vector.broadcast %select_n3A_319 : i32 to vector<16xi32>
      %rem3A_321 = arith.remsi %add3A_314, %rem3A_320 : vector<16xi32>
      %ne3A_322 = arith.constant 0 : i32
      %ne3A_323 = vector.broadcast %ne3A_322 : i32 to vector<16xi32>
      %ne3A_324 = arith.cmpi ne, %rem3A_321, %ne3A_323 : vector<16xi32>
      %lt3A_325 = arith.constant 0 : i32
      %lt3A_326 = vector.broadcast %lt3A_325 : i32 to vector<16xi32>
      %lt3A_327 = arith.cmpi slt, %rem3A_321, %lt3A_326 : vector<16xi32>
      %lt3A_328 = arith.constant 0 : i32
      %lt3A_329 = arith.cmpi slt, %select_n3A_319, %lt3A_328 : i32
      %ne3A_330 = vector.broadcast %lt3A_329 : i1 to vector<16xi1>
      %ne3A_331 = vector.broadcast %ne3A_330 : vector<16xi1> to vector<16xi1>
      %ne3A_332 = arith.xori %lt3A_327, %ne3A_331 : vector<16xi1>
      %and3A_333 = arith.andi %ne3A_332, %ne3A_324 : vector<16xi1>
      %add3A_334 = vector.broadcast %select_n3A_319 : i32 to vector<16xi32>
      %add3A_335 = arith.addi %rem3A_321, %add3A_334 : vector<16xi32>
      %select_n3A_336 = arith.select %and3A_333, %add3A_335, %rem3A_321 : vector<16xi1>, vector<16xi32>
      %mul3A_337 = arith.constant 106496 : i32
      %mul3A_338 = vector.broadcast %mul3A_337 : i32 to vector<16xi32>
      %mul3A_339 = arith.muli %select_n3A_336, %mul3A_338 : vector<16xi32>
      %get3A_340 = arith.index_cast %scan3A_192 : i32 to index
      %get3A_341 = arith.constant 32 : index
      %get3A_342 = tpu.vector_load %arg5[%get3A_340, %get3A_341] {strides = array<i32>} : memref<104x128xi32, #tpu.memory_space<vmem>>, vector<1x16xi32>,
      %get3A_343 = vector.shape_cast %get3A_342 : vector<1x16xi32> to vector<16xi32>
      %shift_right_arithmetic3A_344 = arith.constant 13 : i32
      %shift_right_arithmetic3A_345 = vector.broadcast %shift_right_arithmetic3A_344 : i32 to vector<16xi32>
      %shift_right_arithmetic3A_346 = arith.shrsi %get3A_343, %shift_right_arithmetic3A_345 : vector<16xi32>
      %shift_left3A_347 = arith.constant 13 : i32
      %shift_left3A_348 = vector.broadcast %shift_left3A_347 : i32 to vector<16xi32>
      %shift_left3A_349 = arith.shli %shift_right_arithmetic3A_346, %shift_left3A_348 : vector<16xi32>
      %and3A_350 = arith.constant 1023 : i32
      %and3A_351 = vector.broadcast %and3A_350 : i32 to vector<16xi32>
      %and3A_352 = arith.andi %get3A_343, %and3A_351 : vector<16xi32>
      %shift_left3A_353 = arith.constant 3 : i32
      %shift_left3A_354 = vector.broadcast %shift_left3A_353 : i32 to vector<16xi32>
      %shift_left3A_355 = arith.shli %and3A_352, %shift_left3A_354 : vector<16xi32>
      %add3A_356 = arith.addi %shift_left3A_349, %shift_left3A_355 : vector<16xi32>
      %shift_right_arithmetic3A_357 = arith.constant 10 : i32
      %shift_right_arithmetic3A_358 = vector.broadcast %shift_right_arithmetic3A_357 : i32 to vector<16xi32>
      %shift_right_arithmetic3A_359 = arith.shrsi %get3A_343, %shift_right_arithmetic3A_358 : vector<16xi32>
      %and3A_360 = arith.constant 7 : i32
      %and3A_361 = vector.broadcast %and3A_360 : i32 to vector<16xi32>
      %and3A_362 = arith.andi %shift_right_arithmetic3A_359, %and3A_361 : vector<16xi32>
      %add3A_363 = arith.addi %add3A_356, %and3A_362 : vector<16xi32>
      %add3A_364 = arith.addi %mul3A_339, %add3A_363 : vector<16xi32>
      %swap3A_365 = arith.index_cast %scan3A_192 : i32 to index
      %swap3A_366 = arith.constant 32 : index
      %swap3A_367 = tpu.vector_load %arg5[%swap3A_365, %swap3A_366] {strides = array<i32>} : memref<104x128xi32, #tpu.memory_space<vmem>>, vector<1x16xi32>,
      %swap3A_368 = vector.shape_cast %swap3A_367 : vector<1x16xi32> to vector<16xi32>
      %swap3A_369 = vector.shape_cast %add3A_364 : vector<16xi32> to vector<1x16xi32>
      tpu.vector_store %arg5[%swap3A_365, %swap3A_366], %swap3A_369 {strides = array<i32>} : memref<104x128xi32, #tpu.memory_space<vmem>>, vector<1x16xi32>,
      %mul3A_370 = arith.constant 128 : i32
      %mul3A_371 = arith.muli %scan3A_192, %mul3A_370 : i32
      %add3A_372 = arith.addi %mul3A_2, %mul3A_371 : i32
      %add3A_373 = arith.constant 48 : i32
      %add3A_374 = arith.addi %add3A_372, %add3A_373 : i32
      %iota3A_375 = tpu.iota {dimensions = array<i32: 0>} : vector<16xi32>
      %add3A_376 = vector.broadcast %add3A_374 : i32 to vector<16xi32>
      %add3A_377 = arith.addi %add3A_376, %iota3A_375 : vector<16xi32>
      %jit3A_378 = arith.constant 26 : i32
      %eq3A_379 = arith.constant 0 : i32
      %eq3A_380 = arith.cmpi eq, %jit3A_378, %eq3A_379 : i32
      %jit3A_381 = arith.constant 1 : i32
      %select_n3A_382 = arith.select %eq3A_380, %jit3A_381, %jit3A_378 : i32
      %rem3A_383 = vector.broadcast %select_n3A_382 : i32 to vector<16xi32>
      %rem3A_384 = arith.remsi %add3A_377, %rem3A_383 : vector<16xi32>
      %ne3A_385 = arith.constant 0 : i32
      %ne3A_386 = vector.broadcast %ne3A_385 : i32 to vector<16xi32>
      %ne3A_387 = arith.cmpi ne, %rem3A_384, %ne3A_386 : vector<16xi32>
      %lt3A_388 = arith.constant 0 : i32
      %lt3A_389 = vector.broadcast %lt3A_388 : i32 to vector<16xi32>
      %lt3A_390 = arith.cmpi slt, %rem3A_384, %lt3A_389 : vector<16xi32>
      %lt3A_391 = arith.constant 0 : i32
      %lt3A_392 = arith.cmpi slt, %select_n3A_382, %lt3A_391 : i32
      %ne3A_393 = vector.broadcast %lt3A_392 : i1 to vector<16xi1>
      %ne3A_394 = vector.broadcast %ne3A_393 : vector<16xi1> to vector<16xi1>
      %ne3A_395 = arith.xori %lt3A_390, %ne3A_394 : vector<16xi1>
      %and3A_396 = arith.andi %ne3A_395, %ne3A_387 : vector<16xi1>
      %add3A_397 = vector.broadcast %select_n3A_382 : i32 to vector<16xi32>
      %add3A_398 = arith.addi %rem3A_384, %add3A_397 : vector<16xi32>
      %select_n3A_399 = arith.select %and3A_396, %add3A_398, %rem3A_384 : vector<16xi1>, vector<16xi32>
      %mul3A_400 = arith.constant 106496 : i32
      %mul3A_401 = vector.broadcast %mul3A_400 : i32 to vector<16xi32>
      %mul3A_402 = arith.muli %select_n3A_399, %mul3A_401 : vector<16xi32>
      %get3A_403 = arith.index_cast %scan3A_192 : i32 to index
      %get3A_404 = arith.constant 48 : index
      %get3A_405 = tpu.vector_load %arg5[%get3A_403, %get3A_404] {strides = array<i32>} : memref<104x128xi32, #tpu.memory_space<vmem>>, vector<1x16xi32>,
      %get3A_406 = vector.shape_cast %get3A_405 : vector<1x16xi32> to vector<16xi32>
      %shift_right_arithmetic3A_407 = arith.constant 13 : i32
      %shift_right_arithmetic3A_408 = vector.broadcast %shift_right_arithmetic3A_407 : i32 to vector<16xi32>
      %shift_right_arithmetic3A_409 = arith.shrsi %get3A_406, %shift_right_arithmetic3A_408 : vector<16xi32>
      %shift_left3A_410 = arith.constant 13 : i32
      %shift_left3A_411 = vector.broadcast %shift_left3A_410 : i32 to vector<16xi32>
      %shift_left3A_412 = arith.shli %shift_right_arithmetic3A_409, %shift_left3A_411 : vector<16xi32>
      %and3A_413 = arith.constant 1023 : i32
      %and3A_414 = vector.broadcast %and3A_413 : i32 to vector<16xi32>
      %and3A_415 = arith.andi %get3A_406, %and3A_414 : vector<16xi32>
      %shift_left3A_416 = arith.constant 3 : i32
      %shift_left3A_417 = vector.broadcast %shift_left3A_416 : i32 to vector<16xi32>
      %shift_left3A_418 = arith.shli %and3A_415, %shift_left3A_417 : vector<16xi32>
      %add3A_419 = arith.addi %shift_left3A_412, %shift_left3A_418 : vector<16xi32>
      %shift_right_arithmetic3A_420 = arith.constant 10 : i32
      %shift_right_arithmetic3A_421 = vector.broadcast %shift_right_arithmetic3A_420 : i32 to vector<16xi32>
      %shift_right_arithmetic3A_422 = arith.shrsi %get3A_406, %shift_right_arithmetic3A_421 : vector<16xi32>
      %and3A_423 = arith.constant 7 : i32
      %and3A_424 = vector.broadcast %and3A_423 : i32 to vector<16xi32>
      %and3A_425 = arith.andi %shift_right_arithmetic3A_422, %and3A_424 : vector<16xi32>
      %add3A_426 = arith.addi %add3A_419, %and3A_425 : vector<16xi32>
      %add3A_427 = arith.addi %mul3A_402, %add3A_426 : vector<16xi32>
      %swap3A_428 = arith.index_cast %scan3A_192 : i32 to index
      %swap3A_429 = arith.constant 48 : index
      %swap3A_430 = tpu.vector_load %arg5[%swap3A_428, %swap3A_429] {strides = array<i32>} : memref<104x128xi32, #tpu.memory_space<vmem>>, vector<1x16xi32>,
      %swap3A_431 = vector.shape_cast %swap3A_430 : vector<1x16xi32> to vector<16xi32>
      %swap3A_432 = vector.shape_cast %add3A_427 : vector<16xi32> to vector<1x16xi32>
      tpu.vector_store %arg5[%swap3A_428, %swap3A_429], %swap3A_432 {strides = array<i32>} : memref<104x128xi32, #tpu.memory_space<vmem>>, vector<1x16xi32>,
      %mul3A_433 = arith.constant 128 : i32
      %mul3A_434 = arith.muli %scan3A_192, %mul3A_433 : i32
      %add3A_435 = arith.addi %mul3A_2, %mul3A_434 : i32
      %add3A_436 = arith.constant 64 : i32
      %add3A_437 = arith.addi %add3A_435, %add3A_436 : i32
      %iota3A_438 = tpu.iota {dimensions = array<i32: 0>} : vector<16xi32>
      %add3A_439 = vector.broadcast %add3A_437 : i32 to vector<16xi32>
      %add3A_440 = arith.addi %add3A_439, %iota3A_438 : vector<16xi32>
      %jit3A_441 = arith.constant 26 : i32
      %eq3A_442 = arith.constant 0 : i32
      %eq3A_443 = arith.cmpi eq, %jit3A_441, %eq3A_442 : i32
      %jit3A_444 = arith.constant 1 : i32
      %select_n3A_445 = arith.select %eq3A_443, %jit3A_444, %jit3A_441 : i32
      %rem3A_446 = vector.broadcast %select_n3A_445 : i32 to vector<16xi32>
      %rem3A_447 = arith.remsi %add3A_440, %rem3A_446 : vector<16xi32>
      %ne3A_448 = arith.constant 0 : i32
      %ne3A_449 = vector.broadcast %ne3A_448 : i32 to vector<16xi32>
      %ne3A_450 = arith.cmpi ne, %rem3A_447, %ne3A_449 : vector<16xi32>
      %lt3A_451 = arith.constant 0 : i32
      %lt3A_452 = vector.broadcast %lt3A_451 : i32 to vector<16xi32>
      %lt3A_453 = arith.cmpi slt, %rem3A_447, %lt3A_452 : vector<16xi32>
      %lt3A_454 = arith.constant 0 : i32
      %lt3A_455 = arith.cmpi slt, %select_n3A_445, %lt3A_454 : i32
      %ne3A_456 = vector.broadcast %lt3A_455 : i1 to vector<16xi1>
      %ne3A_457 = vector.broadcast %ne3A_456 : vector<16xi1> to vector<16xi1>
      %ne3A_458 = arith.xori %lt3A_453, %ne3A_457 : vector<16xi1>
      %and3A_459 = arith.andi %ne3A_458, %ne3A_450 : vector<16xi1>
      %add3A_460 = vector.broadcast %select_n3A_445 : i32 to vector<16xi32>
      %add3A_461 = arith.addi %rem3A_447, %add3A_460 : vector<16xi32>
      %select_n3A_462 = arith.select %and3A_459, %add3A_461, %rem3A_447 : vector<16xi1>, vector<16xi32>
      %mul3A_463 = arith.constant 106496 : i32
      %mul3A_464 = vector.broadcast %mul3A_463 : i32 to vector<16xi32>
      %mul3A_465 = arith.muli %select_n3A_462, %mul3A_464 : vector<16xi32>
      %get3A_466 = arith.index_cast %scan3A_192 : i32 to index
      %get3A_467 = arith.constant 64 : index
      %get3A_468 = tpu.vector_load %arg5[%get3A_466, %get3A_467] {strides = array<i32>} : memref<104x128xi32, #tpu.memory_space<vmem>>, vector<1x16xi32>,
      %get3A_469 = vector.shape_cast %get3A_468 : vector<1x16xi32> to vector<16xi32>
      %shift_right_arithmetic3A_470 = arith.constant 13 : i32
      %shift_right_arithmetic3A_471 = vector.broadcast %shift_right_arithmetic3A_470 : i32 to vector<16xi32>
      %shift_right_arithmetic3A_472 = arith.shrsi %get3A_469, %shift_right_arithmetic3A_471 : vector<16xi32>
      %shift_left3A_473 = arith.constant 13 : i32
      %shift_left3A_474 = vector.broadcast %shift_left3A_473 : i32 to vector<16xi32>
      %shift_left3A_475 = arith.shli %shift_right_arithmetic3A_472, %shift_left3A_474 : vector<16xi32>
      %and3A_476 = arith.constant 1023 : i32
      %and3A_477 = vector.broadcast %and3A_476 : i32 to vector<16xi32>
      %and3A_478 = arith.andi %get3A_469, %and3A_477 : vector<16xi32>
      %shift_left3A_479 = arith.constant 3 : i32
      %shift_left3A_480 = vector.broadcast %shift_left3A_479 : i32 to vector<16xi32>
      %shift_left3A_481 = arith.shli %and3A_478, %shift_left3A_480 : vector<16xi32>
      %add3A_482 = arith.addi %shift_left3A_475, %shift_left3A_481 : vector<16xi32>
      %shift_right_arithmetic3A_483 = arith.constant 10 : i32
      %shift_right_arithmetic3A_484 = vector.broadcast %shift_right_arithmetic3A_483 : i32 to vector<16xi32>
      %shift_right_arithmetic3A_485 = arith.shrsi %get3A_469, %shift_right_arithmetic3A_484 : vector<16xi32>
      %and3A_486 = arith.constant 7 : i32
      %and3A_487 = vector.broadcast %and3A_486 : i32 to vector<16xi32>
      %and3A_488 = arith.andi %shift_right_arithmetic3A_485, %and3A_487 : vector<16xi32>
      %add3A_489 = arith.addi %add3A_482, %and3A_488 : vector<16xi32>
      %add3A_490 = arith.addi %mul3A_465, %add3A_489 : vector<16xi32>
      %swap3A_491 = arith.index_cast %scan3A_192 : i32 to index
      %swap3A_492 = arith.constant 64 : index
      %swap3A_493 = tpu.vector_load %arg5[%swap3A_491, %swap3A_492] {strides = array<i32>} : memref<104x128xi32, #tpu.memory_space<vmem>>, vector<1x16xi32>,
      %swap3A_494 = vector.shape_cast %swap3A_493 : vector<1x16xi32> to vector<16xi32>
      %swap3A_495 = vector.shape_cast %add3A_490 : vector<16xi32> to vector<1x16xi32>
      tpu.vector_store %arg5[%swap3A_491, %swap3A_492], %swap3A_495 {strides = array<i32>} : memref<104x128xi32, #tpu.memory_space<vmem>>, vector<1x16xi32>,
      %mul3A_496 = arith.constant 128 : i32
      %mul3A_497 = arith.muli %scan3A_192, %mul3A_496 : i32
      %add3A_498 = arith.addi %mul3A_2, %mul3A_497 : i32
      %add3A_499 = arith.constant 80 : i32
      %add3A_500 = arith.addi %add3A_498, %add3A_499 : i32
      %iota3A_501 = tpu.iota {dimensions = array<i32: 0>} : vector<16xi32>
      %add3A_502 = vector.broadcast %add3A_500 : i32 to vector<16xi32>
      %add3A_503 = arith.addi %add3A_502, %iota3A_501 : vector<16xi32>
      %jit3A_504 = arith.constant 26 : i32
      %eq3A_505 = arith.constant 0 : i32
      %eq3A_506 = arith.cmpi eq, %jit3A_504, %eq3A_505 : i32
      %jit3A_507 = arith.constant 1 : i32
      %select_n3A_508 = arith.select %eq3A_506, %jit3A_507, %jit3A_504 : i32
      %rem3A_509 = vector.broadcast %select_n3A_508 : i32 to vector<16xi32>
      %rem3A_510 = arith.remsi %add3A_503, %rem3A_509 : vector<16xi32>
      %ne3A_511 = arith.constant 0 : i32
      %ne3A_512 = vector.broadcast %ne3A_511 : i32 to vector<16xi32>
      %ne3A_513 = arith.cmpi ne, %rem3A_510, %ne3A_512 : vector<16xi32>
      %lt3A_514 = arith.constant 0 : i32
      %lt3A_515 = vector.broadcast %lt3A_514 : i32 to vector<16xi32>
      %lt3A_516 = arith.cmpi slt, %rem3A_510, %lt3A_515 : vector<16xi32>
      %lt3A_517 = arith.constant 0 : i32
      %lt3A_518 = arith.cmpi slt, %select_n3A_508, %lt3A_517 : i32
      %ne3A_519 = vector.broadcast %lt3A_518 : i1 to vector<16xi1>
      %ne3A_520 = vector.broadcast %ne3A_519 : vector<16xi1> to vector<16xi1>
      %ne3A_521 = arith.xori %lt3A_516, %ne3A_520 : vector<16xi1>
      %and3A_522 = arith.andi %ne3A_521, %ne3A_513 : vector<16xi1>
      %add3A_523 = vector.broadcast %select_n3A_508 : i32 to vector<16xi32>
      %add3A_524 = arith.addi %rem3A_510, %add3A_523 : vector<16xi32>
      %select_n3A_525 = arith.select %and3A_522, %add3A_524, %rem3A_510 : vector<16xi1>, vector<16xi32>
      %mul3A_526 = arith.constant 106496 : i32
      %mul3A_527 = vector.broadcast %mul3A_526 : i32 to vector<16xi32>
      %mul3A_528 = arith.muli %select_n3A_525, %mul3A_527 : vector<16xi32>
      %get3A_529 = arith.index_cast %scan3A_192 : i32 to index
      %get3A_530 = arith.constant 80 : index
      %get3A_531 = tpu.vector_load %arg5[%get3A_529, %get3A_530] {strides = array<i32>} : memref<104x128xi32, #tpu.memory_space<vmem>>, vector<1x16xi32>,
      %get3A_532 = vector.shape_cast %get3A_531 : vector<1x16xi32> to vector<16xi32>
      %shift_right_arithmetic3A_533 = arith.constant 13 : i32
      %shift_right_arithmetic3A_534 = vector.broadcast %shift_right_arithmetic3A_533 : i32 to vector<16xi32>
      %shift_right_arithmetic3A_535 = arith.shrsi %get3A_532, %shift_right_arithmetic3A_534 : vector<16xi32>
      %shift_left3A_536 = arith.constant 13 : i32
      %shift_left3A_537 = vector.broadcast %shift_left3A_536 : i32 to vector<16xi32>
      %shift_left3A_538 = arith.shli %shift_right_arithmetic3A_535, %shift_left3A_537 : vector<16xi32>
      %and3A_539 = arith.constant 1023 : i32
      %and3A_540 = vector.broadcast %and3A_539 : i32 to vector<16xi32>
      %and3A_541 = arith.andi %get3A_532, %and3A_540 : vector<16xi32>
      %shift_left3A_542 = arith.constant 3 : i32
      %shift_left3A_543 = vector.broadcast %shift_left3A_542 : i32 to vector<16xi32>
      %shift_left3A_544 = arith.shli %and3A_541, %shift_left3A_543 : vector<16xi32>
      %add3A_545 = arith.addi %shift_left3A_538, %shift_left3A_544 : vector<16xi32>
      %shift_right_arithmetic3A_546 = arith.constant 10 : i32
      %shift_right_arithmetic3A_547 = vector.broadcast %shift_right_arithmetic3A_546 : i32 to vector<16xi32>
      %shift_right_arithmetic3A_548 = arith.shrsi %get3A_532, %shift_right_arithmetic3A_547 : vector<16xi32>
      %and3A_549 = arith.constant 7 : i32
      %and3A_550 = vector.broadcast %and3A_549 : i32 to vector<16xi32>
      %and3A_551 = arith.andi %shift_right_arithmetic3A_548, %and3A_550 : vector<16xi32>
      %add3A_552 = arith.addi %add3A_545, %and3A_551 : vector<16xi32>
      %add3A_553 = arith.addi %mul3A_528, %add3A_552 : vector<16xi32>
      %swap3A_554 = arith.index_cast %scan3A_192 : i32 to index
      %swap3A_555 = arith.constant 80 : index
      %swap3A_556 = tpu.vector_load %arg5[%swap3A_554, %swap3A_555] {strides = array<i32>} : memref<104x128xi32, #tpu.memory_space<vmem>>, vector<1x16xi32>,
      %swap3A_557 = vector.shape_cast %swap3A_556 : vector<1x16xi32> to vector<16xi32>
      %swap3A_558 = vector.shape_cast %add3A_553 : vector<16xi32> to vector<1x16xi32>
      tpu.vector_store %arg5[%swap3A_554, %swap3A_555], %swap3A_558 {strides = array<i32>} : memref<104x128xi32, #tpu.memory_space<vmem>>, vector<1x16xi32>,
      %mul3A_559 = arith.constant 128 : i32
      %mul3A_560 = arith.muli %scan3A_192, %mul3A_559 : i32
      %add3A_561 = arith.addi %mul3A_2, %mul3A_560 : i32
      %add3A_562 = arith.constant 96 : i32
      %add3A_563 = arith.addi %add3A_561, %add3A_562 : i32
      %iota3A_564 = tpu.iota {dimensions = array<i32: 0>} : vector<16xi32>
      %add3A_565 = vector.broadcast %add3A_563 : i32 to vector<16xi32>
      %add3A_566 = arith.addi %add3A_565, %iota3A_564 : vector<16xi32>
      %jit3A_567 = arith.constant 26 : i32
      %eq3A_568 = arith.constant 0 : i32
      %eq3A_569 = arith.cmpi eq, %jit3A_567, %eq3A_568 : i32
      %jit3A_570 = arith.constant 1 : i32
      %select_n3A_571 = arith.select %eq3A_569, %jit3A_570, %jit3A_567 : i32
      %rem3A_572 = vector.broadcast %select_n3A_571 : i32 to vector<16xi32>
      %rem3A_573 = arith.remsi %add3A_566, %rem3A_572 : vector<16xi32>
      %ne3A_574 = arith.constant 0 : i32
      %ne3A_575 = vector.broadcast %ne3A_574 : i32 to vector<16xi32>
      %ne3A_576 = arith.cmpi ne, %rem3A_573, %ne3A_575 : vector<16xi32>
      %lt3A_577 = arith.constant 0 : i32
      %lt3A_578 = vector.broadcast %lt3A_577 : i32 to vector<16xi32>
      %lt3A_579 = arith.cmpi slt, %rem3A_573, %lt3A_578 : vector<16xi32>
      %lt3A_580 = arith.constant 0 : i32
      %lt3A_581 = arith.cmpi slt, %select_n3A_571, %lt3A_580 : i32
      %ne3A_582 = vector.broadcast %lt3A_581 : i1 to vector<16xi1>
      %ne3A_583 = vector.broadcast %ne3A_582 : vector<16xi1> to vector<16xi1>
      %ne3A_584 = arith.xori %lt3A_579, %ne3A_583 : vector<16xi1>
      %and3A_585 = arith.andi %ne3A_584, %ne3A_576 : vector<16xi1>
      %add3A_586 = vector.broadcast %select_n3A_571 : i32 to vector<16xi32>
      %add3A_587 = arith.addi %rem3A_573, %add3A_586 : vector<16xi32>
      %select_n3A_588 = arith.select %and3A_585, %add3A_587, %rem3A_573 : vector<16xi1>, vector<16xi32>
      %mul3A_589 = arith.constant 106496 : i32
      %mul3A_590 = vector.broadcast %mul3A_589 : i32 to vector<16xi32>
      %mul3A_591 = arith.muli %select_n3A_588, %mul3A_590 : vector<16xi32>
      %get3A_592 = arith.index_cast %scan3A_192 : i32 to index
      %get3A_593 = arith.constant 96 : index
      %get3A_594 = tpu.vector_load %arg5[%get3A_592, %get3A_593] {strides = array<i32>} : memref<104x128xi32, #tpu.memory_space<vmem>>, vector<1x16xi32>,
      %get3A_595 = vector.shape_cast %get3A_594 : vector<1x16xi32> to vector<16xi32>
      %shift_right_arithmetic3A_596 = arith.constant 13 : i32
      %shift_right_arithmetic3A_597 = vector.broadcast %shift_right_arithmetic3A_596 : i32 to vector<16xi32>
      %shift_right_arithmetic3A_598 = arith.shrsi %get3A_595, %shift_right_arithmetic3A_597 : vector<16xi32>
      %shift_left3A_599 = arith.constant 13 : i32
      %shift_left3A_600 = vector.broadcast %shift_left3A_599 : i32 to vector<16xi32>
      %shift_left3A_601 = arith.shli %shift_right_arithmetic3A_598, %shift_left3A_600 : vector<16xi32>
      %and3A_602 = arith.constant 1023 : i32
      %and3A_603 = vector.broadcast %and3A_602 : i32 to vector<16xi32>
      %and3A_604 = arith.andi %get3A_595, %and3A_603 : vector<16xi32>
      %shift_left3A_605 = arith.constant 3 : i32
      %shift_left3A_606 = vector.broadcast %shift_left3A_605 : i32 to vector<16xi32>
      %shift_left3A_607 = arith.shli %and3A_604, %shift_left3A_606 : vector<16xi32>
      %add3A_608 = arith.addi %shift_left3A_601, %shift_left3A_607 : vector<16xi32>
      %shift_right_arithmetic3A_609 = arith.constant 10 : i32
      %shift_right_arithmetic3A_610 = vector.broadcast %shift_right_arithmetic3A_609 : i32 to vector<16xi32>
      %shift_right_arithmetic3A_611 = arith.shrsi %get3A_595, %shift_right_arithmetic3A_610 : vector<16xi32>
      %and3A_612 = arith.constant 7 : i32
      %and3A_613 = vector.broadcast %and3A_612 : i32 to vector<16xi32>
      %and3A_614 = arith.andi %shift_right_arithmetic3A_611, %and3A_613 : vector<16xi32>
      %add3A_615 = arith.addi %add3A_608, %and3A_614 : vector<16xi32>
      %add3A_616 = arith.addi %mul3A_591, %add3A_615 : vector<16xi32>
      %swap3A_617 = arith.index_cast %scan3A_192 : i32 to index
      %swap3A_618 = arith.constant 96 : index
      %swap3A_619 = tpu.vector_load %arg5[%swap3A_617, %swap3A_618] {strides = array<i32>} : memref<104x128xi32, #tpu.memory_space<vmem>>, vector<1x16xi32>,
      %swap3A_620 = vector.shape_cast %swap3A_619 : vector<1x16xi32> to vector<16xi32>
      %swap3A_621 = vector.shape_cast %add3A_616 : vector<16xi32> to vector<1x16xi32>
      tpu.vector_store %arg5[%swap3A_617, %swap3A_618], %swap3A_621 {strides = array<i32>} : memref<104x128xi32, #tpu.memory_space<vmem>>, vector<1x16xi32>,
      %mul3A_622 = arith.constant 128 : i32
      %mul3A_623 = arith.muli %scan3A_192, %mul3A_622 : i32
      %add3A_624 = arith.addi %mul3A_2, %mul3A_623 : i32
      %add3A_625 = arith.constant 112 : i32
      %add3A_626 = arith.addi %add3A_624, %add3A_625 : i32
      %iota3A_627 = tpu.iota {dimensions = array<i32: 0>} : vector<16xi32>
      %add3A_628 = vector.broadcast %add3A_626 : i32 to vector<16xi32>
      %add3A_629 = arith.addi %add3A_628, %iota3A_627 : vector<16xi32>
      %jit3A_630 = arith.constant 26 : i32
      %eq3A_631 = arith.constant 0 : i32
      %eq3A_632 = arith.cmpi eq, %jit3A_630, %eq3A_631 : i32
      %jit3A_633 = arith.constant 1 : i32
      %select_n3A_634 = arith.select %eq3A_632, %jit3A_633, %jit3A_630 : i32
      %rem3A_635 = vector.broadcast %select_n3A_634 : i32 to vector<16xi32>
      %rem3A_636 = arith.remsi %add3A_629, %rem3A_635 : vector<16xi32>
      %ne3A_637 = arith.constant 0 : i32
      %ne3A_638 = vector.broadcast %ne3A_637 : i32 to vector<16xi32>
      %ne3A_639 = arith.cmpi ne, %rem3A_636, %ne3A_638 : vector<16xi32>
      %lt3A_640 = arith.constant 0 : i32
      %lt3A_641 = vector.broadcast %lt3A_640 : i32 to vector<16xi32>
      %lt3A_642 = arith.cmpi slt, %rem3A_636, %lt3A_641 : vector<16xi32>
      %lt3A_643 = arith.constant 0 : i32
      %lt3A_644 = arith.cmpi slt, %select_n3A_634, %lt3A_643 : i32
      %ne3A_645 = vector.broadcast %lt3A_644 : i1 to vector<16xi1>
      %ne3A_646 = vector.broadcast %ne3A_645 : vector<16xi1> to vector<16xi1>
      %ne3A_647 = arith.xori %lt3A_642, %ne3A_646 : vector<16xi1>
      %and3A_648 = arith.andi %ne3A_647, %ne3A_639 : vector<16xi1>
      %add3A_649 = vector.broadcast %select_n3A_634 : i32 to vector<16xi32>
      %add3A_650 = arith.addi %rem3A_636, %add3A_649 : vector<16xi32>
      %select_n3A_651 = arith.select %and3A_648, %add3A_650, %rem3A_636 : vector<16xi1>, vector<16xi32>
      %mul3A_652 = arith.constant 106496 : i32
      %mul3A_653 = vector.broadcast %mul3A_652 : i32 to vector<16xi32>
      %mul3A_654 = arith.muli %select_n3A_651, %mul3A_653 : vector<16xi32>
      %get3A_655 = arith.index_cast %scan3A_192 : i32 to index
      %get3A_656 = arith.constant 112 : index
      %get3A_657 = tpu.vector_load %arg5[%get3A_655, %get3A_656] {strides = array<i32>} : memref<104x128xi32, #tpu.memory_space<vmem>>, vector<1x16xi32>,
      %get3A_658 = vector.shape_cast %get3A_657 : vector<1x16xi32> to vector<16xi32>
      %shift_right_arithmetic3A_659 = arith.constant 13 : i32
      %shift_right_arithmetic3A_660 = vector.broadcast %shift_right_arithmetic3A_659 : i32 to vector<16xi32>
      %shift_right_arithmetic3A_661 = arith.shrsi %get3A_658, %shift_right_arithmetic3A_660 : vector<16xi32>
      %shift_left3A_662 = arith.constant 13 : i32
      %shift_left3A_663 = vector.broadcast %shift_left3A_662 : i32 to vector<16xi32>
      %shift_left3A_664 = arith.shli %shift_right_arithmetic3A_661, %shift_left3A_663 : vector<16xi32>
      %and3A_665 = arith.constant 1023 : i32
      %and3A_666 = vector.broadcast %and3A_665 : i32 to vector<16xi32>
      %and3A_667 = arith.andi %get3A_658, %and3A_666 : vector<16xi32>
      %shift_left3A_668 = arith.constant 3 : i32
      %shift_left3A_669 = vector.broadcast %shift_left3A_668 : i32 to vector<16xi32>
      %shift_left3A_670 = arith.shli %and3A_667, %shift_left3A_669 : vector<16xi32>
      %add3A_671 = arith.addi %shift_left3A_664, %shift_left3A_670 : vector<16xi32>
      %shift_right_arithmetic3A_672 = arith.constant 10 : i32
      %shift_right_arithmetic3A_673 = vector.broadcast %shift_right_arithmetic3A_672 : i32 to vector<16xi32>
      %shift_right_arithmetic3A_674 = arith.shrsi %get3A_658, %shift_right_arithmetic3A_673 : vector<16xi32>
      %and3A_675 = arith.constant 7 : i32
      %and3A_676 = vector.broadcast %and3A_675 : i32 to vector<16xi32>
      %and3A_677 = arith.andi %shift_right_arithmetic3A_674, %and3A_676 : vector<16xi32>
      %add3A_678 = arith.addi %add3A_671, %and3A_677 : vector<16xi32>
      %add3A_679 = arith.addi %mul3A_654, %add3A_678 : vector<16xi32>
      %swap3A_680 = arith.index_cast %scan3A_192 : i32 to index
      %swap3A_681 = arith.constant 112 : index
      %swap3A_682 = tpu.vector_load %arg5[%swap3A_680, %swap3A_681] {strides = array<i32>} : memref<104x128xi32, #tpu.memory_space<vmem>>, vector<1x16xi32>,
      %swap3A_683 = vector.shape_cast %swap3A_682 : vector<1x16xi32> to vector<16xi32>
      %swap3A_684 = vector.shape_cast %add3A_679 : vector<16xi32> to vector<1x16xi32>
      tpu.vector_store %arg5[%swap3A_680, %swap3A_681], %swap3A_684 {strides = array<i32>} : memref<104x128xi32, #tpu.memory_space<vmem>>, vector<1x16xi32>,
    }
    %scan3A_9 = arith.constant 104 : i32
    %dma_start3A = arith.constant 0 : i32
    %dma_start3A_10 = arith.constant 0 : i32
    %dma_start3A_11 = arith.constant 0 : i32
    %dma_start3A_12 = tpu.memref_slice %arg6[%dma_start3A_10, %dma_start3A_11] : memref<1024x16xf32, #tpu.memory_space<vmem>> -> memref<128x16xf32, #tpu.memory_space<vmem>>
    %dma_start3A_13 = arith.constant 0 : i32
    %dma_start3A_14 = tpu.memref_slice %arg5[%dma_start3A, %dma_start3A_13] : memref<104x128xi32, #tpu.memory_space<vmem>> -> memref<1x128xi32, #tpu.memory_space<vmem>>
    %dma_start3A_15 = tpu.memref_squeeze %dma_start3A_14 : memref<1x128xi32, #tpu.memory_space<vmem>> -> memref<128xi32, #tpu.memory_space<vmem>>
    %dma_start3A_16 = arith.constant 0 : i32
    %dma_start3A_17 = arith.constant 0 : i32
    %dma_start3A_18 = tpu.memref_slice %arg3[%dma_start3A_16, %dma_start3A_17] : memref<2768896x16xf32, #tpu.memory_space<hbm>> -> memref<2768896x16xf32, #tpu.memory_space<hbm>>
    tpu.enqueue_indirect_dma source(%dma_start3A_18 : memref<2768896x16xf32, #tpu.memory_space<hbm>>) target(%dma_start3A_12 : memref<128x16xf32, #tpu.memory_space<vmem>>) offsets(%dma_start3A_15 : memref<128xi32, #tpu.memory_space<vmem>>) semaphore(%arg8 : memref<!tpu.dma_semaphore, #tpu.memory_space<semaphore_mem>>)
    %dma_start3A_19 = arith.constant 1 : i32
    %dma_start3A_20 = arith.constant 128 : i32
    %dma_start3A_21 = arith.constant 0 : i32
    %dma_start3A_22 = tpu.memref_slice %arg6[%dma_start3A_20, %dma_start3A_21] : memref<1024x16xf32, #tpu.memory_space<vmem>> -> memref<128x16xf32, #tpu.memory_space<vmem>>
    %dma_start3A_23 = arith.constant 0 : i32
    %dma_start3A_24 = tpu.memref_slice %arg5[%dma_start3A_19, %dma_start3A_23] : memref<104x128xi32, #tpu.memory_space<vmem>> -> memref<1x128xi32, #tpu.memory_space<vmem>>
    %dma_start3A_25 = tpu.memref_squeeze %dma_start3A_24 : memref<1x128xi32, #tpu.memory_space<vmem>> -> memref<128xi32, #tpu.memory_space<vmem>>
    %dma_start3A_26 = arith.constant 0 : i32
    %dma_start3A_27 = arith.constant 0 : i32
    %dma_start3A_28 = tpu.memref_slice %arg3[%dma_start3A_26, %dma_start3A_27] : memref<2768896x16xf32, #tpu.memory_space<hbm>> -> memref<2768896x16xf32, #tpu.memory_space<hbm>>
    tpu.enqueue_indirect_dma source(%dma_start3A_28 : memref<2768896x16xf32, #tpu.memory_space<hbm>>) target(%dma_start3A_22 : memref<128x16xf32, #tpu.memory_space<vmem>>) offsets(%dma_start3A_25 : memref<128xi32, #tpu.memory_space<vmem>>) semaphore(%arg8 : memref<!tpu.dma_semaphore, #tpu.memory_space<semaphore_mem>>)
    %dma_start3A_29 = arith.constant 2 : i32
    %dma_start3A_30 = arith.constant 256 : i32
    %dma_start3A_31 = arith.constant 0 : i32
    %dma_start3A_32 = tpu.memref_slice %arg6[%dma_start3A_30, %dma_start3A_31] : memref<1024x16xf32, #tpu.memory_space<vmem>> -> memref<128x16xf32, #tpu.memory_space<vmem>>
    %dma_start3A_33 = arith.constant 0 : i32
    %dma_start3A_34 = tpu.memref_slice %arg5[%dma_start3A_29, %dma_start3A_33] : memref<104x128xi32, #tpu.memory_space<vmem>> -> memref<1x128xi32, #tpu.memory_space<vmem>>
    %dma_start3A_35 = tpu.memref_squeeze %dma_start3A_34 : memref<1x128xi32, #tpu.memory_space<vmem>> -> memref<128xi32, #tpu.memory_space<vmem>>
    %dma_start3A_36 = arith.constant 0 : i32
    %dma_start3A_37 = arith.constant 0 : i32
    %dma_start3A_38 = tpu.memref_slice %arg3[%dma_start3A_36, %dma_start3A_37] : memref<2768896x16xf32, #tpu.memory_space<hbm>> -> memref<2768896x16xf32, #tpu.memory_space<hbm>>
    tpu.enqueue_indirect_dma source(%dma_start3A_38 : memref<2768896x16xf32, #tpu.memory_space<hbm>>) target(%dma_start3A_32 : memref<128x16xf32, #tpu.memory_space<vmem>>) offsets(%dma_start3A_35 : memref<128xi32, #tpu.memory_space<vmem>>) semaphore(%arg8 : memref<!tpu.dma_semaphore, #tpu.memory_space<semaphore_mem>>)
    %dma_start3A_39 = arith.constant 3 : i32
    %dma_start3A_40 = arith.constant 384 : i32
    %dma_start3A_41 = arith.constant 0 : i32
    %dma_start3A_42 = tpu.memref_slice %arg6[%dma_start3A_40, %dma_start3A_41] : memref<1024x16xf32, #tpu.memory_space<vmem>> -> memref<128x16xf32, #tpu.memory_space<vmem>>
    %dma_start3A_43 = arith.constant 0 : i32
    %dma_start3A_44 = tpu.memref_slice %arg5[%dma_start3A_39, %dma_start3A_43] : memref<104x128xi32, #tpu.memory_space<vmem>> -> memref<1x128xi32, #tpu.memory_space<vmem>>
    %dma_start3A_45 = tpu.memref_squeeze %dma_start3A_44 : memref<1x128xi32, #tpu.memory_space<vmem>> -> memref<128xi32, #tpu.memory_space<vmem>>
    %dma_start3A_46 = arith.constant 0 : i32
    %dma_start3A_47 = arith.constant 0 : i32
    %dma_start3A_48 = tpu.memref_slice %arg3[%dma_start3A_46, %dma_start3A_47] : memref<2768896x16xf32, #tpu.memory_space<hbm>> -> memref<2768896x16xf32, #tpu.memory_space<hbm>>
    tpu.enqueue_indirect_dma source(%dma_start3A_48 : memref<2768896x16xf32, #tpu.memory_space<hbm>>) target(%dma_start3A_42 : memref<128x16xf32, #tpu.memory_space<vmem>>) offsets(%dma_start3A_45 : memref<128xi32, #tpu.memory_space<vmem>>) semaphore(%arg8 : memref<!tpu.dma_semaphore, #tpu.memory_space<semaphore_mem>>)
    %dma_start3A_49 = arith.constant 4 : i32
    %dma_start3A_50 = arith.constant 512 : i32
    %dma_start3A_51 = arith.constant 0 : i32
    %dma_start3A_52 = tpu.memref_slice %arg6[%dma_start3A_50, %dma_start3A_51] : memref<1024x16xf32, #tpu.memory_space<vmem>> -> memref<128x16xf32, #tpu.memory_space<vmem>>
    %dma_start3A_53 = arith.constant 0 : i32
    %dma_start3A_54 = tpu.memref_slice %arg5[%dma_start3A_49, %dma_start3A_53] : memref<104x128xi32, #tpu.memory_space<vmem>> -> memref<1x128xi32, #tpu.memory_space<vmem>>
    %dma_start3A_55 = tpu.memref_squeeze %dma_start3A_54 : memref<1x128xi32, #tpu.memory_space<vmem>> -> memref<128xi32, #tpu.memory_space<vmem>>
    %dma_start3A_56 = arith.constant 0 : i32
    %dma_start3A_57 = arith.constant 0 : i32
    %dma_start3A_58 = tpu.memref_slice %arg3[%dma_start3A_56, %dma_start3A_57] : memref<2768896x16xf32, #tpu.memory_space<hbm>> -> memref<2768896x16xf32, #tpu.memory_space<hbm>>
    tpu.enqueue_indirect_dma source(%dma_start3A_58 : memref<2768896x16xf32, #tpu.memory_space<hbm>>) target(%dma_start3A_52 : memref<128x16xf32, #tpu.memory_space<vmem>>) offsets(%dma_start3A_55 : memref<128xi32, #tpu.memory_space<vmem>>) semaphore(%arg8 : memref<!tpu.dma_semaphore, #tpu.memory_space<semaphore_mem>>)
    %dma_start3A_59 = arith.constant 5 : i32
    %dma_start3A_60 = arith.constant 640 : i32
    %dma_start3A_61 = arith.constant 0 : i32
    %dma_start3A_62 = tpu.memref_slice %arg6[%dma_start3A_60, %dma_start3A_61] : memref<1024x16xf32, #tpu.memory_space<vmem>> -> memref<128x16xf32, #tpu.memory_space<vmem>>
    %dma_start3A_63 = arith.constant 0 : i32
    %dma_start3A_64 = tpu.memref_slice %arg5[%dma_start3A_59, %dma_start3A_63] : memref<104x128xi32, #tpu.memory_space<vmem>> -> memref<1x128xi32, #tpu.memory_space<vmem>>
    %dma_start3A_65 = tpu.memref_squeeze %dma_start3A_64 : memref<1x128xi32, #tpu.memory_space<vmem>> -> memref<128xi32, #tpu.memory_space<vmem>>
    %dma_start3A_66 = arith.constant 0 : i32
    %dma_start3A_67 = arith.constant 0 : i32
    %dma_start3A_68 = tpu.memref_slice %arg3[%dma_start3A_66, %dma_start3A_67] : memref<2768896x16xf32, #tpu.memory_space<hbm>> -> memref<2768896x16xf32, #tpu.memory_space<hbm>>
    tpu.enqueue_indirect_dma source(%dma_start3A_68 : memref<2768896x16xf32, #tpu.memory_space<hbm>>) target(%dma_start3A_62 : memref<128x16xf32, #tpu.memory_space<vmem>>) offsets(%dma_start3A_65 : memref<128xi32, #tpu.memory_space<vmem>>) semaphore(%arg8 : memref<!tpu.dma_semaphore, #tpu.memory_space<semaphore_mem>>)
    %dma_start3A_69 = arith.constant 6 : i32
    %dma_start3A_70 = arith.constant 768 : i32
    %dma_start3A_71 = arith.constant 0 : i32
    %dma_start3A_72 = tpu.memref_slice %arg6[%dma_start3A_70, %dma_start3A_71] : memref<1024x16xf32, #tpu.memory_space<vmem>> -> memref<128x16xf32, #tpu.memory_space<vmem>>
    %dma_start3A_73 = arith.constant 0 : i32
    %dma_start3A_74 = tpu.memref_slice %arg5[%dma_start3A_69, %dma_start3A_73] : memref<104x128xi32, #tpu.memory_space<vmem>> -> memref<1x128xi32, #tpu.memory_space<vmem>>
    %dma_start3A_75 = tpu.memref_squeeze %dma_start3A_74 : memref<1x128xi32, #tpu.memory_space<vmem>> -> memref<128xi32, #tpu.memory_space<vmem>>
    %dma_start3A_76 = arith.constant 0 : i32
    %dma_start3A_77 = arith.constant 0 : i32
    %dma_start3A_78 = tpu.memref_slice %arg3[%dma_start3A_76, %dma_start3A_77] : memref<2768896x16xf32, #tpu.memory_space<hbm>> -> memref<2768896x16xf32, #tpu.memory_space<hbm>>
    tpu.enqueue_indirect_dma source(%dma_start3A_78 : memref<2768896x16xf32, #tpu.memory_space<hbm>>) target(%dma_start3A_72 : memref<128x16xf32, #tpu.memory_space<vmem>>) offsets(%dma_start3A_75 : memref<128xi32, #tpu.memory_space<vmem>>) semaphore(%arg8 : memref<!tpu.dma_semaphore, #tpu.memory_space<semaphore_mem>>)
    %dma_start3A_79 = arith.constant 7 : i32
    %dma_start3A_80 = arith.constant 896 : i32
    %dma_start3A_81 = arith.constant 0 : i32
    %dma_start3A_82 = tpu.memref_slice %arg6[%dma_start3A_80, %dma_start3A_81] : memref<1024x16xf32, #tpu.memory_space<vmem>> -> memref<128x16xf32, #tpu.memory_space<vmem>>
    %dma_start3A_83 = arith.constant 0 : i32
    %dma_start3A_84 = tpu.memref_slice %arg5[%dma_start3A_79, %dma_start3A_83] : memref<104x128xi32, #tpu.memory_space<vmem>> -> memref<1x128xi32, #tpu.memory_space<vmem>>
    %dma_start3A_85 = tpu.memref_squeeze %dma_start3A_84 : memref<1x128xi32, #tpu.memory_space<vmem>> -> memref<128xi32, #tpu.memory_space<vmem>>
    %dma_start3A_86 = arith.constant 0 : i32
    %dma_start3A_87 = arith.constant 0 : i32
    %dma_start3A_88 = tpu.memref_slice %arg3[%dma_start3A_86, %dma_start3A_87] : memref<2768896x16xf32, #tpu.memory_space<hbm>> -> memref<2768896x16xf32, #tpu.memory_space<hbm>>
    tpu.enqueue_indirect_dma source(%dma_start3A_88 : memref<2768896x16xf32, #tpu.memory_space<hbm>>) target(%dma_start3A_82 : memref<128x16xf32, #tpu.memory_space<vmem>>) offsets(%dma_start3A_85 : memref<128xi32, #tpu.memory_space<vmem>>) semaphore(%arg8 : memref<!tpu.dma_semaphore, #tpu.memory_space<semaphore_mem>>)
    %scan3A_89 = arith.constant 0 : i32
    %scan3A_90 = arith.constant 0 : i32
    %scan3A_91 = arith.constant 6 : i32
    %scan3A_92 = arith.addi %scan3A_90, %scan3A_91 : i32
    %scan3A_93 = arith.constant 1 : i32
    scf.for %scan3A_192 = %scan3A_90 to %scan3A_92 step %scan3A_93  : i32 {
      %mul3A_193 = arith.constant 2 : i32
      %mul3A_194 = arith.muli %mul3A_193, %scan3A_192 : i32
      %add3A_195 = arith.constant 1 : i32
      %add3A_196 = arith.addi %mul3A_194, %add3A_195 : i32
      %mul3A_197 = arith.constant 8 : i32
      %mul3A_198 = arith.muli %add3A_196, %mul3A_197 : i32
      %add3A_199 = arith.constant 0 : i32
      %add3A_200 = arith.addi %mul3A_198, %add3A_199 : i32
      %dma_start3A_201 = arith.constant 0 : i32
      %dma_start3A_202 = arith.constant 0 : i32
      %dma_start3A_203 = tpu.memref_slice %arg7[%dma_start3A_201, %dma_start3A_202] : memref<1024x16xf32, #tpu.memory_space<vmem>> -> memref<128x16xf32, #tpu.memory_space<vmem>>
      %dma_start3A_204 = arith.constant 0 : i32
      %dma_start3A_205 = tpu.memref_slice %arg5[%add3A_200, %dma_start3A_204] : memref<104x128xi32, #tpu.memory_space<vmem>> -> memref<1x128xi32, #tpu.memory_space<vmem>>
      %dma_start3A_206 = tpu.memref_squeeze %dma_start3A_205 : memref<1x128xi32, #tpu.memory_space<vmem>> -> memref<128xi32, #tpu.memory_space<vmem>>
      %dma_start3A_207 = arith.constant 0 : i32
      %dma_start3A_208 = arith.constant 0 : i32
      %dma_start3A_209 = tpu.memref_slice %arg3[%dma_start3A_207, %dma_start3A_208] : memref<2768896x16xf32, #tpu.memory_space<hbm>> -> memref<2768896x16xf32, #tpu.memory_space<hbm>>
      tpu.enqueue_indirect_dma source(%dma_start3A_209 : memref<2768896x16xf32, #tpu.memory_space<hbm>>) target(%dma_start3A_203 : memref<128x16xf32, #tpu.memory_space<vmem>>) offsets(%dma_start3A_206 : memref<128xi32, #tpu.memory_space<vmem>>) semaphore(%arg9 : memref<!tpu.dma_semaphore, #tpu.memory_space<semaphore_mem>>)
      %mul3A_210 = arith.constant 8 : i32
      %mul3A_211 = arith.muli %add3A_196, %mul3A_210 : i32
      %add3A_212 = arith.constant 1 : i32
      %add3A_213 = arith.addi %mul3A_211, %add3A_212 : i32
      %dma_start3A_214 = arith.constant 128 : i32
      %dma_start3A_215 = arith.constant 0 : i32
      %dma_start3A_216 = tpu.memref_slice %arg7[%dma_start3A_214, %dma_start3A_215] : memref<1024x16xf32, #tpu.memory_space<vmem>> -> memref<128x16xf32, #tpu.memory_space<vmem>>
      %dma_start3A_217 = arith.constant 0 : i32
      %dma_start3A_218 = tpu.memref_slice %arg5[%add3A_213, %dma_start3A_217] : memref<104x128xi32, #tpu.memory_space<vmem>> -> memref<1x128xi32, #tpu.memory_space<vmem>>
      %dma_start3A_219 = tpu.memref_squeeze %dma_start3A_218 : memref<1x128xi32, #tpu.memory_space<vmem>> -> memref<128xi32, #tpu.memory_space<vmem>>
      %dma_start3A_220 = arith.constant 0 : i32
      %dma_start3A_221 = arith.constant 0 : i32
      %dma_start3A_222 = tpu.memref_slice %arg3[%dma_start3A_220, %dma_start3A_221] : memref<2768896x16xf32, #tpu.memory_space<hbm>> -> memref<2768896x16xf32, #tpu.memory_space<hbm>>
      tpu.enqueue_indirect_dma source(%dma_start3A_222 : memref<2768896x16xf32, #tpu.memory_space<hbm>>) target(%dma_start3A_216 : memref<128x16xf32, #tpu.memory_space<vmem>>) offsets(%dma_start3A_219 : memref<128xi32, #tpu.memory_space<vmem>>) semaphore(%arg9 : memref<!tpu.dma_semaphore, #tpu.memory_space<semaphore_mem>>)
      %mul3A_223 = arith.constant 8 : i32
      %mul3A_224 = arith.muli %add3A_196, %mul3A_223 : i32
      %add3A_225 = arith.constant 2 : i32
      %add3A_226 = arith.addi %mul3A_224, %add3A_225 : i32
      %dma_start3A_227 = arith.constant 256 : i32
      %dma_start3A_228 = arith.constant 0 : i32
      %dma_start3A_229 = tpu.memref_slice %arg7[%dma_start3A_227, %dma_start3A_228] : memref<1024x16xf32, #tpu.memory_space<vmem>> -> memref<128x16xf32, #tpu.memory_space<vmem>>
      %dma_start3A_230 = arith.constant 0 : i32
      %dma_start3A_231 = tpu.memref_slice %arg5[%add3A_226, %dma_start3A_230] : memref<104x128xi32, #tpu.memory_space<vmem>> -> memref<1x128xi32, #tpu.memory_space<vmem>>
      %dma_start3A_232 = tpu.memref_squeeze %dma_start3A_231 : memref<1x128xi32, #tpu.memory_space<vmem>> -> memref<128xi32, #tpu.memory_space<vmem>>
      %dma_start3A_233 = arith.constant 0 : i32
      %dma_start3A_234 = arith.constant 0 : i32
      %dma_start3A_235 = tpu.memref_slice %arg3[%dma_start3A_233, %dma_start3A_234] : memref<2768896x16xf32, #tpu.memory_space<hbm>> -> memref<2768896x16xf32, #tpu.memory_space<hbm>>
      tpu.enqueue_indirect_dma source(%dma_start3A_235 : memref<2768896x16xf32, #tpu.memory_space<hbm>>) target(%dma_start3A_229 : memref<128x16xf32, #tpu.memory_space<vmem>>) offsets(%dma_start3A_232 : memref<128xi32, #tpu.memory_space<vmem>>) semaphore(%arg9 : memref<!tpu.dma_semaphore, #tpu.memory_space<semaphore_mem>>)
      %mul3A_236 = arith.constant 8 : i32
      %mul3A_237 = arith.muli %add3A_196, %mul3A_236 : i32
      %add3A_238 = arith.constant 3 : i32
      %add3A_239 = arith.addi %mul3A_237, %add3A_238 : i32
      %dma_start3A_240 = arith.constant 384 : i32
      %dma_start3A_241 = arith.constant 0 : i32
      %dma_start3A_242 = tpu.memref_slice %arg7[%dma_start3A_240, %dma_start3A_241] : memref<1024x16xf32, #tpu.memory_space<vmem>> -> memref<128x16xf32, #tpu.memory_space<vmem>>
      %dma_start3A_243 = arith.constant 0 : i32
      %dma_start3A_244 = tpu.memref_slice %arg5[%add3A_239, %dma_start3A_243] : memref<104x128xi32, #tpu.memory_space<vmem>> -> memref<1x128xi32, #tpu.memory_space<vmem>>
      %dma_start3A_245 = tpu.memref_squeeze %dma_start3A_244 : memref<1x128xi32, #tpu.memory_space<vmem>> -> memref<128xi32, #tpu.memory_space<vmem>>
      %dma_start3A_246 = arith.constant 0 : i32
      %dma_start3A_247 = arith.constant 0 : i32
      %dma_start3A_248 = tpu.memref_slice %arg3[%dma_start3A_246, %dma_start3A_247] : memref<2768896x16xf32, #tpu.memory_space<hbm>> -> memref<2768896x16xf32, #tpu.memory_space<hbm>>
      tpu.enqueue_indirect_dma source(%dma_start3A_248 : memref<2768896x16xf32, #tpu.memory_space<hbm>>) target(%dma_start3A_242 : memref<128x16xf32, #tpu.memory_space<vmem>>) offsets(%dma_start3A_245 : memref<128xi32, #tpu.memory_space<vmem>>) semaphore(%arg9 : memref<!tpu.dma_semaphore, #tpu.memory_space<semaphore_mem>>)
      %mul3A_249 = arith.constant 8 : i32
      %mul3A_250 = arith.muli %add3A_196, %mul3A_249 : i32
      %add3A_251 = arith.constant 4 : i32
      %add3A_252 = arith.addi %mul3A_250, %add3A_251 : i32
      %dma_start3A_253 = arith.constant 512 : i32
      %dma_start3A_254 = arith.constant 0 : i32
      %dma_start3A_255 = tpu.memref_slice %arg7[%dma_start3A_253, %dma_start3A_254] : memref<1024x16xf32, #tpu.memory_space<vmem>> -> memref<128x16xf32, #tpu.memory_space<vmem>>
      %dma_start3A_256 = arith.constant 0 : i32
      %dma_start3A_257 = tpu.memref_slice %arg5[%add3A_252, %dma_start3A_256] : memref<104x128xi32, #tpu.memory_space<vmem>> -> memref<1x128xi32, #tpu.memory_space<vmem>>
      %dma_start3A_258 = tpu.memref_squeeze %dma_start3A_257 : memref<1x128xi32, #tpu.memory_space<vmem>> -> memref<128xi32, #tpu.memory_space<vmem>>
      %dma_start3A_259 = arith.constant 0 : i32
      %dma_start3A_260 = arith.constant 0 : i32
      %dma_start3A_261 = tpu.memref_slice %arg3[%dma_start3A_259, %dma_start3A_260] : memref<2768896x16xf32, #tpu.memory_space<hbm>> -> memref<2768896x16xf32, #tpu.memory_space<hbm>>
      tpu.enqueue_indirect_dma source(%dma_start3A_261 : memref<2768896x16xf32, #tpu.memory_space<hbm>>) target(%dma_start3A_255 : memref<128x16xf32, #tpu.memory_space<vmem>>) offsets(%dma_start3A_258 : memref<128xi32, #tpu.memory_space<vmem>>) semaphore(%arg9 : memref<!tpu.dma_semaphore, #tpu.memory_space<semaphore_mem>>)
      %mul3A_262 = arith.constant 8 : i32
      %mul3A_263 = arith.muli %add3A_196, %mul3A_262 : i32
      %add3A_264 = arith.constant 5 : i32
      %add3A_265 = arith.addi %mul3A_263, %add3A_264 : i32
      %dma_start3A_266 = arith.constant 640 : i32
      %dma_start3A_267 = arith.constant 0 : i32
      %dma_start3A_268 = tpu.memref_slice %arg7[%dma_start3A_266, %dma_start3A_267] : memref<1024x16xf32, #tpu.memory_space<vmem>> -> memref<128x16xf32, #tpu.memory_space<vmem>>
      %dma_start3A_269 = arith.constant 0 : i32
      %dma_start3A_270 = tpu.memref_slice %arg5[%add3A_265, %dma_start3A_269] : memref<104x128xi32, #tpu.memory_space<vmem>> -> memref<1x128xi32, #tpu.memory_space<vmem>>
      %dma_start3A_271 = tpu.memref_squeeze %dma_start3A_270 : memref<1x128xi32, #tpu.memory_space<vmem>> -> memref<128xi32, #tpu.memory_space<vmem>>
      %dma_start3A_272 = arith.constant 0 : i32
      %dma_start3A_273 = arith.constant 0 : i32
      %dma_start3A_274 = tpu.memref_slice %arg3[%dma_start3A_272, %dma_start3A_273] : memref<2768896x16xf32, #tpu.memory_space<hbm>> -> memref<2768896x16xf32, #tpu.memory_space<hbm>>
      tpu.enqueue_indirect_dma source(%dma_start3A_274 : memref<2768896x16xf32, #tpu.memory_space<hbm>>) target(%dma_start3A_268 : memref<128x16xf32, #tpu.memory_space<vmem>>) offsets(%dma_start3A_271 : memref<128xi32, #tpu.memory_space<vmem>>) semaphore(%arg9 : memref<!tpu.dma_semaphore, #tpu.memory_space<semaphore_mem>>)
      %mul3A_275 = arith.constant 8 : i32
      %mul3A_276 = arith.muli %add3A_196, %mul3A_275 : i32
      %add3A_277 = arith.constant 6 : i32
      %add3A_278 = arith.addi %mul3A_276, %add3A_277 : i32
      %dma_start3A_279 = arith.constant 768 : i32
      %dma_start3A_280 = arith.constant 0 : i32
      %dma_start3A_281 = tpu.memref_slice %arg7[%dma_start3A_279, %dma_start3A_280] : memref<1024x16xf32, #tpu.memory_space<vmem>> -> memref<128x16xf32, #tpu.memory_space<vmem>>
      %dma_start3A_282 = arith.constant 0 : i32
      %dma_start3A_283 = tpu.memref_slice %arg5[%add3A_278, %dma_start3A_282] : memref<104x128xi32, #tpu.memory_space<vmem>> -> memref<1x128xi32, #tpu.memory_space<vmem>>
      %dma_start3A_284 = tpu.memref_squeeze %dma_start3A_283 : memref<1x128xi32, #tpu.memory_space<vmem>> -> memref<128xi32, #tpu.memory_space<vmem>>
      %dma_start3A_285 = arith.constant 0 : i32
      %dma_start3A_286 = arith.constant 0 : i32
      %dma_start3A_287 = tpu.memref_slice %arg3[%dma_start3A_285, %dma_start3A_286] : memref<2768896x16xf32, #tpu.memory_space<hbm>> -> memref<2768896x16xf32, #tpu.memory_space<hbm>>
      tpu.enqueue_indirect_dma source(%dma_start3A_287 : memref<2768896x16xf32, #tpu.memory_space<hbm>>) target(%dma_start3A_281 : memref<128x16xf32, #tpu.memory_space<vmem>>) offsets(%dma_start3A_284 : memref<128xi32, #tpu.memory_space<vmem>>) semaphore(%arg9 : memref<!tpu.dma_semaphore, #tpu.memory_space<semaphore_mem>>)
      %mul3A_288 = arith.constant 8 : i32
      %mul3A_289 = arith.muli %add3A_196, %mul3A_288 : i32
      %add3A_290 = arith.constant 7 : i32
      %add3A_291 = arith.addi %mul3A_289, %add3A_290 : i32
      %dma_start3A_292 = arith.constant 896 : i32
      %dma_start3A_293 = arith.constant 0 : i32
      %dma_start3A_294 = tpu.memref_slice %arg7[%dma_start3A_292, %dma_start3A_293] : memref<1024x16xf32, #tpu.memory_space<vmem>> -> memref<128x16xf32, #tpu.memory_space<vmem>>
      %dma_start3A_295 = arith.constant 0 : i32
      %dma_start3A_296 = tpu.memref_slice %arg5[%add3A_291, %dma_start3A_295] : memref<104x128xi32, #tpu.memory_space<vmem>> -> memref<1x128xi32, #tpu.memory_space<vmem>>
      %dma_start3A_297 = tpu.memref_squeeze %dma_start3A_296 : memref<1x128xi32, #tpu.memory_space<vmem>> -> memref<128xi32, #tpu.memory_space<vmem>>
      %dma_start3A_298 = arith.constant 0 : i32
      %dma_start3A_299 = arith.constant 0 : i32
      %dma_start3A_300 = tpu.memref_slice %arg3[%dma_start3A_298, %dma_start3A_299] : memref<2768896x16xf32, #tpu.memory_space<hbm>> -> memref<2768896x16xf32, #tpu.memory_space<hbm>>
      tpu.enqueue_indirect_dma source(%dma_start3A_300 : memref<2768896x16xf32, #tpu.memory_space<hbm>>) target(%dma_start3A_294 : memref<128x16xf32, #tpu.memory_space<vmem>>) offsets(%dma_start3A_297 : memref<128xi32, #tpu.memory_space<vmem>>) semaphore(%arg9 : memref<!tpu.dma_semaphore, #tpu.memory_space<semaphore_mem>>)
      %dma_wait3A_301 = arith.constant 0 : i32
      %dma_wait3A_302 = arith.constant 0 : i32
      %dma_wait3A_303 = tpu.memref_slice %arg6[%dma_wait3A_301, %dma_wait3A_302] : memref<1024x16xf32, #tpu.memory_space<vmem>> -> memref<128x16xf32, #tpu.memory_space<vmem>>
      %dma_wait3A_304 = arith.constant 0 : i32
      %dma_wait3A_305 = arith.constant 0 : i32
      %dma_wait3A_306 = tpu.memref_slice %arg3[%dma_wait3A_304, %dma_wait3A_305] : memref<2768896x16xf32, #tpu.memory_space<hbm>> -> memref<128x16xf32, #tpu.memory_space<hbm>>
      %dma_wait3A_307 = arith.constant 0 : i32
      %dma_wait3A_308 = arith.constant 0 : i32
      %dma_wait3A_309 = tpu.memref_slice %arg6[%dma_wait3A_307, %dma_wait3A_308] : memref<1024x16xf32, #tpu.memory_space<vmem>> -> memref<128x16xf32, #tpu.memory_space<vmem>>
      %dma_wait3A_310 = arith.constant 0 : i32
      %dma_wait3A_311 = arith.constant 0 : i32
      %dma_wait3A_312 = tpu.memref_slice %arg3[%dma_wait3A_310, %dma_wait3A_311] : memref<2768896x16xf32, #tpu.memory_space<hbm>> -> memref<128x16xf32, #tpu.memory_space<hbm>>
      tpu.wait_dma2 semaphore(%arg8 : memref<!tpu.dma_semaphore, #tpu.memory_space<semaphore_mem>>) src(%dma_wait3A_312 : memref<128x16xf32, #tpu.memory_space<hbm>>) dst(%dma_wait3A_309 : memref<128x16xf32, #tpu.memory_space<vmem>>)
      %dma_wait3A_313 = arith.constant 128 : i32
      %dma_wait3A_314 = arith.constant 0 : i32
      %dma_wait3A_315 = tpu.memref_slice %arg6[%dma_wait3A_313, %dma_wait3A_314] : memref<1024x16xf32, #tpu.memory_space<vmem>> -> memref<128x16xf32, #tpu.memory_space<vmem>>
      %dma_wait3A_316 = arith.constant 0 : i32
      %dma_wait3A_317 = arith.constant 0 : i32
      %dma_wait3A_318 = tpu.memref_slice %arg3[%dma_wait3A_316, %dma_wait3A_317] : memref<2768896x16xf32, #tpu.memory_space<hbm>> -> memref<128x16xf32, #tpu.memory_space<hbm>>
      %dma_wait3A_319 = arith.constant 128 : i32
      %dma_wait3A_320 = arith.constant 0 : i32
      %dma_wait3A_321 = tpu.memref_slice %arg6[%dma_wait3A_319, %dma_wait3A_320] : memref<1024x16xf32, #tpu.memory_space<vmem>> -> memref<128x16xf32, #tpu.memory_space<vmem>>
      %dma_wait3A_322 = arith.constant 0 : i32
      %dma_wait3A_323 = arith.constant 0 : i32
      %dma_wait3A_324 = tpu.memref_slice %arg3[%dma_wait3A_322, %dma_wait3A_323] : memref<2768896x16xf32, #tpu.memory_space<hbm>> -> memref<128x16xf32, #tpu.memory_space<hbm>>
      tpu.wait_dma2 semaphore(%arg8 : memref<!tpu.dma_semaphore, #tpu.memory_space<semaphore_mem>>) src(%dma_wait3A_324 : memref<128x16xf32, #tpu.memory_space<hbm>>) dst(%dma_wait3A_321 : memref<128x16xf32, #tpu.memory_space<vmem>>)
      %dma_wait3A_325 = arith.constant 256 : i32
      %dma_wait3A_326 = arith.constant 0 : i32
      %dma_wait3A_327 = tpu.memref_slice %arg6[%dma_wait3A_325, %dma_wait3A_326] : memref<1024x16xf32, #tpu.memory_space<vmem>> -> memref<128x16xf32, #tpu.memory_space<vmem>>
      %dma_wait3A_328 = arith.constant 0 : i32
      %dma_wait3A_329 = arith.constant 0 : i32
      %dma_wait3A_330 = tpu.memref_slice %arg3[%dma_wait3A_328, %dma_wait3A_329] : memref<2768896x16xf32, #tpu.memory_space<hbm>> -> memref<128x16xf32, #tpu.memory_space<hbm>>
      %dma_wait3A_331 = arith.constant 256 : i32
      %dma_wait3A_332 = arith.constant 0 : i32
      %dma_wait3A_333 = tpu.memref_slice %arg6[%dma_wait3A_331, %dma_wait3A_332] : memref<1024x16xf32, #tpu.memory_space<vmem>> -> memref<128x16xf32, #tpu.memory_space<vmem>>
      %dma_wait3A_334 = arith.constant 0 : i32
      %dma_wait3A_335 = arith.constant 0 : i32
      %dma_wait3A_336 = tpu.memref_slice %arg3[%dma_wait3A_334, %dma_wait3A_335] : memref<2768896x16xf32, #tpu.memory_space<hbm>> -> memref<128x16xf32, #tpu.memory_space<hbm>>
      tpu.wait_dma2 semaphore(%arg8 : memref<!tpu.dma_semaphore, #tpu.memory_space<semaphore_mem>>) src(%dma_wait3A_336 : memref<128x16xf32, #tpu.memory_space<hbm>>) dst(%dma_wait3A_333 : memref<128x16xf32, #tpu.memory_space<vmem>>)
      %dma_wait3A_337 = arith.constant 384 : i32
      %dma_wait3A_338 = arith.constant 0 : i32
      %dma_wait3A_339 = tpu.memref_slice %arg6[%dma_wait3A_337, %dma_wait3A_338] : memref<1024x16xf32, #tpu.memory_space<vmem>> -> memref<128x16xf32, #tpu.memory_space<vmem>>
      %dma_wait3A_340 = arith.constant 0 : i32
      %dma_wait3A_341 = arith.constant 0 : i32
      %dma_wait3A_342 = tpu.memref_slice %arg3[%dma_wait3A_340, %dma_wait3A_341] : memref<2768896x16xf32, #tpu.memory_space<hbm>> -> memref<128x16xf32, #tpu.memory_space<hbm>>
      %dma_wait3A_343 = arith.constant 384 : i32
      %dma_wait3A_344 = arith.constant 0 : i32
      %dma_wait3A_345 = tpu.memref_slice %arg6[%dma_wait3A_343, %dma_wait3A_344] : memref<1024x16xf32, #tpu.memory_space<vmem>> -> memref<128x16xf32, #tpu.memory_space<vmem>>
      %dma_wait3A_346 = arith.constant 0 : i32
      %dma_wait3A_347 = arith.constant 0 : i32
      %dma_wait3A_348 = tpu.memref_slice %arg3[%dma_wait3A_346, %dma_wait3A_347] : memref<2768896x16xf32, #tpu.memory_space<hbm>> -> memref<128x16xf32, #tpu.memory_space<hbm>>
      tpu.wait_dma2 semaphore(%arg8 : memref<!tpu.dma_semaphore, #tpu.memory_space<semaphore_mem>>) src(%dma_wait3A_348 : memref<128x16xf32, #tpu.memory_space<hbm>>) dst(%dma_wait3A_345 : memref<128x16xf32, #tpu.memory_space<vmem>>)
      %dma_wait3A_349 = arith.constant 512 : i32
      %dma_wait3A_350 = arith.constant 0 : i32
      %dma_wait3A_351 = tpu.memref_slice %arg6[%dma_wait3A_349, %dma_wait3A_350] : memref<1024x16xf32, #tpu.memory_space<vmem>> -> memref<128x16xf32, #tpu.memory_space<vmem>>
      %dma_wait3A_352 = arith.constant 0 : i32
      %dma_wait3A_353 = arith.constant 0 : i32
      %dma_wait3A_354 = tpu.memref_slice %arg3[%dma_wait3A_352, %dma_wait3A_353] : memref<2768896x16xf32, #tpu.memory_space<hbm>> -> memref<128x16xf32, #tpu.memory_space<hbm>>
      %dma_wait3A_355 = arith.constant 512 : i32
      %dma_wait3A_356 = arith.constant 0 : i32
      %dma_wait3A_357 = tpu.memref_slice %arg6[%dma_wait3A_355, %dma_wait3A_356] : memref<1024x16xf32, #tpu.memory_space<vmem>> -> memref<128x16xf32, #tpu.memory_space<vmem>>
      %dma_wait3A_358 = arith.constant 0 : i32
      %dma_wait3A_359 = arith.constant 0 : i32
      %dma_wait3A_360 = tpu.memref_slice %arg3[%dma_wait3A_358, %dma_wait3A_359] : memref<2768896x16xf32, #tpu.memory_space<hbm>> -> memref<128x16xf32, #tpu.memory_space<hbm>>
      tpu.wait_dma2 semaphore(%arg8 : memref<!tpu.dma_semaphore, #tpu.memory_space<semaphore_mem>>) src(%dma_wait3A_360 : memref<128x16xf32, #tpu.memory_space<hbm>>) dst(%dma_wait3A_357 : memref<128x16xf32, #tpu.memory_space<vmem>>)
      %dma_wait3A_361 = arith.constant 640 : i32
      %dma_wait3A_362 = arith.constant 0 : i32
      %dma_wait3A_363 = tpu.memref_slice %arg6[%dma_wait3A_361, %dma_wait3A_362] : memref<1024x16xf32, #tpu.memory_space<vmem>> -> memref<128x16xf32, #tpu.memory_space<vmem>>
      %dma_wait3A_364 = arith.constant 0 : i32
      %dma_wait3A_365 = arith.constant 0 : i32
      %dma_wait3A_366 = tpu.memref_slice %arg3[%dma_wait3A_364, %dma_wait3A_365] : memref<2768896x16xf32, #tpu.memory_space<hbm>> -> memref<128x16xf32, #tpu.memory_space<hbm>>
      %dma_wait3A_367 = arith.constant 640 : i32
      %dma_wait3A_368 = arith.constant 0 : i32
      %dma_wait3A_369 = tpu.memref_slice %arg6[%dma_wait3A_367, %dma_wait3A_368] : memref<1024x16xf32, #tpu.memory_space<vmem>> -> memref<128x16xf32, #tpu.memory_space<vmem>>
      %dma_wait3A_370 = arith.constant 0 : i32
      %dma_wait3A_371 = arith.constant 0 : i32
      %dma_wait3A_372 = tpu.memref_slice %arg3[%dma_wait3A_370, %dma_wait3A_371] : memref<2768896x16xf32, #tpu.memory_space<hbm>> -> memref<128x16xf32, #tpu.memory_space<hbm>>
      tpu.wait_dma2 semaphore(%arg8 : memref<!tpu.dma_semaphore, #tpu.memory_space<semaphore_mem>>) src(%dma_wait3A_372 : memref<128x16xf32, #tpu.memory_space<hbm>>) dst(%dma_wait3A_369 : memref<128x16xf32, #tpu.memory_space<vmem>>)
      %dma_wait3A_373 = arith.constant 768 : i32
      %dma_wait3A_374 = arith.constant 0 : i32
      %dma_wait3A_375 = tpu.memref_slice %arg6[%dma_wait3A_373, %dma_wait3A_374] : memref<1024x16xf32, #tpu.memory_space<vmem>> -> memref<128x16xf32, #tpu.memory_space<vmem>>
      %dma_wait3A_376 = arith.constant 0 : i32
      %dma_wait3A_377 = arith.constant 0 : i32
      %dma_wait3A_378 = tpu.memref_slice %arg3[%dma_wait3A_376, %dma_wait3A_377] : memref<2768896x16xf32, #tpu.memory_space<hbm>> -> memref<128x16xf32, #tpu.memory_space<hbm>>
      %dma_wait3A_379 = arith.constant 768 : i32
      %dma_wait3A_380 = arith.constant 0 : i32
      %dma_wait3A_381 = tpu.memref_slice %arg6[%dma_wait3A_379, %dma_wait3A_380] : memref<1024x16xf32, #tpu.memory_space<vmem>> -> memref<128x16xf32, #tpu.memory_space<vmem>>
      %dma_wait3A_382 = arith.constant 0 : i32
      %dma_wait3A_383 = arith.constant 0 : i32
      %dma_wait3A_384 = tpu.memref_slice %arg3[%dma_wait3A_382, %dma_wait3A_383] : memref<2768896x16xf32, #tpu.memory_space<hbm>> -> memref<128x16xf32, #tpu.memory_space<hbm>>
      tpu.wait_dma2 semaphore(%arg8 : memref<!tpu.dma_semaphore, #tpu.memory_space<semaphore_mem>>) src(%dma_wait3A_384 : memref<128x16xf32, #tpu.memory_space<hbm>>) dst(%dma_wait3A_381 : memref<128x16xf32, #tpu.memory_space<vmem>>)
      %dma_wait3A_385 = arith.constant 896 : i32
      %dma_wait3A_386 = arith.constant 0 : i32
      %dma_wait3A_387 = tpu.memref_slice %arg6[%dma_wait3A_385, %dma_wait3A_386] : memref<1024x16xf32, #tpu.memory_space<vmem>> -> memref<128x16xf32, #tpu.memory_space<vmem>>
      %dma_wait3A_388 = arith.constant 0 : i32
      %dma_wait3A_389 = arith.constant 0 : i32
      %dma_wait3A_390 = tpu.memref_slice %arg3[%dma_wait3A_388, %dma_wait3A_389] : memref<2768896x16xf32, #tpu.memory_space<hbm>> -> memref<128x16xf32, #tpu.memory_space<hbm>>
      %dma_wait3A_391 = arith.constant 896 : i32
      %dma_wait3A_392 = arith.constant 0 : i32
      %dma_wait3A_393 = tpu.memref_slice %arg6[%dma_wait3A_391, %dma_wait3A_392] : memref<1024x16xf32, #tpu.memory_space<vmem>> -> memref<128x16xf32, #tpu.memory_space<vmem>>
      %dma_wait3A_394 = arith.constant 0 : i32
      %dma_wait3A_395 = arith.constant 0 : i32
      %dma_wait3A_396 = tpu.memref_slice %arg3[%dma_wait3A_394, %dma_wait3A_395] : memref<2768896x16xf32, #tpu.memory_space<hbm>> -> memref<128x16xf32, #tpu.memory_space<hbm>>
      tpu.wait_dma2 semaphore(%arg8 : memref<!tpu.dma_semaphore, #tpu.memory_space<semaphore_mem>>) src(%dma_wait3A_396 : memref<128x16xf32, #tpu.memory_space<hbm>>) dst(%dma_wait3A_393 : memref<128x16xf32, #tpu.memory_space<vmem>>)
      %mul3A_397 = arith.constant 1024 : i32
      %mul3A_398 = arith.muli %mul3A_194, %mul3A_397 : i32
      %add3A_399 = arith.addi %mul3A_2, %mul3A_398 : i32
      "tpu.region"() ({
        %run_scoped3A = tpu.sem_alloc : memref<!tpu.dma_semaphore, #tpu.memory_space<semaphore_mem>>
        %dma_start3A_607 = arith.constant 0 : i32
        %dma_start3A_608 = tpu.memref_slice %arg4[%add3A_399, %dma_start3A_607] : memref<425984x16xf32, #tpu.memory_space<hbm>> -> memref<1024x16xf32, #tpu.memory_space<hbm>>
        %dma_start3A_609 = arith.constant 0 : i32
        %dma_start3A_610 = tpu.memref_slice %arg4[%add3A_399, %dma_start3A_609] : memref<425984x16xf32, #tpu.memory_space<hbm>> -> memref<1024x16xf32, #tpu.memory_space<hbm>>
        tpu.enqueue_dma source(%arg6 : memref<1024x16xf32, #tpu.memory_space<vmem>>) target(%dma_start3A_610 : memref<1024x16xf32, #tpu.memory_space<hbm>>) target_semaphore(%run_scoped3A : memref<!tpu.dma_semaphore, #tpu.memory_space<semaphore_mem>>)
        %dma_wait3A_611 = arith.constant 0 : i32
        %dma_wait3A_612 = tpu.memref_slice %arg4[%add3A_399, %dma_wait3A_611] : memref<425984x16xf32, #tpu.memory_space<hbm>> -> memref<1024x16xf32, #tpu.memory_space<hbm>>
        %dma_wait3A_613 = arith.constant 0 : i32
        %dma_wait3A_614 = tpu.memref_slice %arg4[%add3A_399, %dma_wait3A_613] : memref<425984x16xf32, #tpu.memory_space<hbm>> -> memref<1024x16xf32, #tpu.memory_space<hbm>>
        tpu.wait_dma2 semaphore(%run_scoped3A : memref<!tpu.dma_semaphore, #tpu.memory_space<semaphore_mem>>) src(%arg6 : memref<1024x16xf32, #tpu.memory_space<vmem>>) dst(%dma_wait3A_614 : memref<1024x16xf32, #tpu.memory_space<hbm>>)
        tpu.yield
      }) : () -> ()
      %add3A_400 = arith.constant 2 : i32
      %add3A_401 = arith.addi %mul3A_194, %add3A_400 : i32
      %mul3A_402 = arith.constant 8 : i32
      %mul3A_403 = arith.muli %add3A_401, %mul3A_402 : i32
      %add3A_404 = arith.constant 0 : i32
      %add3A_405 = arith.addi %mul3A_403, %add3A_404 : i32
      %dma_start3A_406 = arith.constant 0 : i32
      %dma_start3A_407 = arith.constant 0 : i32
      %dma_start3A_408 = tpu.memref_slice %arg6[%dma_start3A_406, %dma_start3A_407] : memref<1024x16xf32, #tpu.memory_space<vmem>> -> memref<128x16xf32, #tpu.memory_space<vmem>>
      %dma_start3A_409 = arith.constant 0 : i32
      %dma_start3A_410 = tpu.memref_slice %arg5[%add3A_405, %dma_start3A_409] : memref<104x128xi32, #tpu.memory_space<vmem>> -> memref<1x128xi32, #tpu.memory_space<vmem>>
      %dma_start3A_411 = tpu.memref_squeeze %dma_start3A_410 : memref<1x128xi32, #tpu.memory_space<vmem>> -> memref<128xi32, #tpu.memory_space<vmem>>
      %dma_start3A_412 = arith.constant 0 : i32
      %dma_start3A_413 = arith.constant 0 : i32
      %dma_start3A_414 = tpu.memref_slice %arg3[%dma_start3A_412, %dma_start3A_413] : memref<2768896x16xf32, #tpu.memory_space<hbm>> -> memref<2768896x16xf32, #tpu.memory_space<hbm>>
      tpu.enqueue_indirect_dma source(%dma_start3A_414 : memref<2768896x16xf32, #tpu.memory_space<hbm>>) target(%dma_start3A_408 : memref<128x16xf32, #tpu.memory_space<vmem>>) offsets(%dma_start3A_411 : memref<128xi32, #tpu.memory_space<vmem>>) semaphore(%arg8 : memref<!tpu.dma_semaphore, #tpu.memory_space<semaphore_mem>>)
      %mul3A_415 = arith.constant 8 : i32
      %mul3A_416 = arith.muli %add3A_401, %mul3A_415 : i32
      %add3A_417 = arith.constant 1 : i32
      %add3A_418 = arith.addi %mul3A_416, %add3A_417 : i32
      %dma_start3A_419 = arith.constant 128 : i32
      %dma_start3A_420 = arith.constant 0 : i32
      %dma_start3A_421 = tpu.memref_slice %arg6[%dma_start3A_419, %dma_start3A_420] : memref<1024x16xf32, #tpu.memory_space<vmem>> -> memref<128x16xf32, #tpu.memory_space<vmem>>
      %dma_start3A_422 = arith.constant 0 : i32
      %dma_start3A_423 = tpu.memref_slice %arg5[%add3A_418, %dma_start3A_422] : memref<104x128xi32, #tpu.memory_space<vmem>> -> memref<1x128xi32, #tpu.memory_space<vmem>>
      %dma_start3A_424 = tpu.memref_squeeze %dma_start3A_423 : memref<1x128xi32, #tpu.memory_space<vmem>> -> memref<128xi32, #tpu.memory_space<vmem>>
      %dma_start3A_425 = arith.constant 0 : i32
      %dma_start3A_426 = arith.constant 0 : i32
      %dma_start3A_427 = tpu.memref_slice %arg3[%dma_start3A_425, %dma_start3A_426] : memref<2768896x16xf32, #tpu.memory_space<hbm>> -> memref<2768896x16xf32, #tpu.memory_space<hbm>>
      tpu.enqueue_indirect_dma source(%dma_start3A_427 : memref<2768896x16xf32, #tpu.memory_space<hbm>>) target(%dma_start3A_421 : memref<128x16xf32, #tpu.memory_space<vmem>>) offsets(%dma_start3A_424 : memref<128xi32, #tpu.memory_space<vmem>>) semaphore(%arg8 : memref<!tpu.dma_semaphore, #tpu.memory_space<semaphore_mem>>)
      %mul3A_428 = arith.constant 8 : i32
      %mul3A_429 = arith.muli %add3A_401, %mul3A_428 : i32
      %add3A_430 = arith.constant 2 : i32
      %add3A_431 = arith.addi %mul3A_429, %add3A_430 : i32
      %dma_start3A_432 = arith.constant 256 : i32
      %dma_start3A_433 = arith.constant 0 : i32
      %dma_start3A_434 = tpu.memref_slice %arg6[%dma_start3A_432, %dma_start3A_433] : memref<1024x16xf32, #tpu.memory_space<vmem>> -> memref<128x16xf32, #tpu.memory_space<vmem>>
      %dma_start3A_435 = arith.constant 0 : i32
      %dma_start3A_436 = tpu.memref_slice %arg5[%add3A_431, %dma_start3A_435] : memref<104x128xi32, #tpu.memory_space<vmem>> -> memref<1x128xi32, #tpu.memory_space<vmem>>
      %dma_start3A_437 = tpu.memref_squeeze %dma_start3A_436 : memref<1x128xi32, #tpu.memory_space<vmem>> -> memref<128xi32, #tpu.memory_space<vmem>>
      %dma_start3A_438 = arith.constant 0 : i32
      %dma_start3A_439 = arith.constant 0 : i32
      %dma_start3A_440 = tpu.memref_slice %arg3[%dma_start3A_438, %dma_start3A_439] : memref<2768896x16xf32, #tpu.memory_space<hbm>> -> memref<2768896x16xf32, #tpu.memory_space<hbm>>
      tpu.enqueue_indirect_dma source(%dma_start3A_440 : memref<2768896x16xf32, #tpu.memory_space<hbm>>) target(%dma_start3A_434 : memref<128x16xf32, #tpu.memory_space<vmem>>) offsets(%dma_start3A_437 : memref<128xi32, #tpu.memory_space<vmem>>) semaphore(%arg8 : memref<!tpu.dma_semaphore, #tpu.memory_space<semaphore_mem>>)
      %mul3A_441 = arith.constant 8 : i32
      %mul3A_442 = arith.muli %add3A_401, %mul3A_441 : i32
      %add3A_443 = arith.constant 3 : i32
      %add3A_444 = arith.addi %mul3A_442, %add3A_443 : i32
      %dma_start3A_445 = arith.constant 384 : i32
      %dma_start3A_446 = arith.constant 0 : i32
      %dma_start3A_447 = tpu.memref_slice %arg6[%dma_start3A_445, %dma_start3A_446] : memref<1024x16xf32, #tpu.memory_space<vmem>> -> memref<128x16xf32, #tpu.memory_space<vmem>>
      %dma_start3A_448 = arith.constant 0 : i32
      %dma_start3A_449 = tpu.memref_slice %arg5[%add3A_444, %dma_start3A_448] : memref<104x128xi32, #tpu.memory_space<vmem>> -> memref<1x128xi32, #tpu.memory_space<vmem>>
      %dma_start3A_450 = tpu.memref_squeeze %dma_start3A_449 : memref<1x128xi32, #tpu.memory_space<vmem>> -> memref<128xi32, #tpu.memory_space<vmem>>
      %dma_start3A_451 = arith.constant 0 : i32
      %dma_start3A_452 = arith.constant 0 : i32
      %dma_start3A_453 = tpu.memref_slice %arg3[%dma_start3A_451, %dma_start3A_452] : memref<2768896x16xf32, #tpu.memory_space<hbm>> -> memref<2768896x16xf32, #tpu.memory_space<hbm>>
      tpu.enqueue_indirect_dma source(%dma_start3A_453 : memref<2768896x16xf32, #tpu.memory_space<hbm>>) target(%dma_start3A_447 : memref<128x16xf32, #tpu.memory_space<vmem>>) offsets(%dma_start3A_450 : memref<128xi32, #tpu.memory_space<vmem>>) semaphore(%arg8 : memref<!tpu.dma_semaphore, #tpu.memory_space<semaphore_mem>>)
      %mul3A_454 = arith.constant 8 : i32
      %mul3A_455 = arith.muli %add3A_401, %mul3A_454 : i32
      %add3A_456 = arith.constant 4 : i32
      %add3A_457 = arith.addi %mul3A_455, %add3A_456 : i32
      %dma_start3A_458 = arith.constant 512 : i32
      %dma_start3A_459 = arith.constant 0 : i32
      %dma_start3A_460 = tpu.memref_slice %arg6[%dma_start3A_458, %dma_start3A_459] : memref<1024x16xf32, #tpu.memory_space<vmem>> -> memref<128x16xf32, #tpu.memory_space<vmem>>
      %dma_start3A_461 = arith.constant 0 : i32
      %dma_start3A_462 = tpu.memref_slice %arg5[%add3A_457, %dma_start3A_461] : memref<104x128xi32, #tpu.memory_space<vmem>> -> memref<1x128xi32, #tpu.memory_space<vmem>>
      %dma_start3A_463 = tpu.memref_squeeze %dma_start3A_462 : memref<1x128xi32, #tpu.memory_space<vmem>> -> memref<128xi32, #tpu.memory_space<vmem>>
      %dma_start3A_464 = arith.constant 0 : i32
      %dma_start3A_465 = arith.constant 0 : i32
      %dma_start3A_466 = tpu.memref_slice %arg3[%dma_start3A_464, %dma_start3A_465] : memref<2768896x16xf32, #tpu.memory_space<hbm>> -> memref<2768896x16xf32, #tpu.memory_space<hbm>>
      tpu.enqueue_indirect_dma source(%dma_start3A_466 : memref<2768896x16xf32, #tpu.memory_space<hbm>>) target(%dma_start3A_460 : memref<128x16xf32, #tpu.memory_space<vmem>>) offsets(%dma_start3A_463 : memref<128xi32, #tpu.memory_space<vmem>>) semaphore(%arg8 : memref<!tpu.dma_semaphore, #tpu.memory_space<semaphore_mem>>)
      %mul3A_467 = arith.constant 8 : i32
      %mul3A_468 = arith.muli %add3A_401, %mul3A_467 : i32
      %add3A_469 = arith.constant 5 : i32
      %add3A_470 = arith.addi %mul3A_468, %add3A_469 : i32
      %dma_start3A_471 = arith.constant 640 : i32
      %dma_start3A_472 = arith.constant 0 : i32
      %dma_start3A_473 = tpu.memref_slice %arg6[%dma_start3A_471, %dma_start3A_472] : memref<1024x16xf32, #tpu.memory_space<vmem>> -> memref<128x16xf32, #tpu.memory_space<vmem>>
      %dma_start3A_474 = arith.constant 0 : i32
      %dma_start3A_475 = tpu.memref_slice %arg5[%add3A_470, %dma_start3A_474] : memref<104x128xi32, #tpu.memory_space<vmem>> -> memref<1x128xi32, #tpu.memory_space<vmem>>
      %dma_start3A_476 = tpu.memref_squeeze %dma_start3A_475 : memref<1x128xi32, #tpu.memory_space<vmem>> -> memref<128xi32, #tpu.memory_space<vmem>>
      %dma_start3A_477 = arith.constant 0 : i32
      %dma_start3A_478 = arith.constant 0 : i32
      %dma_start3A_479 = tpu.memref_slice %arg3[%dma_start3A_477, %dma_start3A_478] : memref<2768896x16xf32, #tpu.memory_space<hbm>> -> memref<2768896x16xf32, #tpu.memory_space<hbm>>
      tpu.enqueue_indirect_dma source(%dma_start3A_479 : memref<2768896x16xf32, #tpu.memory_space<hbm>>) target(%dma_start3A_473 : memref<128x16xf32, #tpu.memory_space<vmem>>) offsets(%dma_start3A_476 : memref<128xi32, #tpu.memory_space<vmem>>) semaphore(%arg8 : memref<!tpu.dma_semaphore, #tpu.memory_space<semaphore_mem>>)
      %mul3A_480 = arith.constant 8 : i32
      %mul3A_481 = arith.muli %add3A_401, %mul3A_480 : i32
      %add3A_482 = arith.constant 6 : i32
      %add3A_483 = arith.addi %mul3A_481, %add3A_482 : i32
      %dma_start3A_484 = arith.constant 768 : i32
      %dma_start3A_485 = arith.constant 0 : i32
      %dma_start3A_486 = tpu.memref_slice %arg6[%dma_start3A_484, %dma_start3A_485] : memref<1024x16xf32, #tpu.memory_space<vmem>> -> memref<128x16xf32, #tpu.memory_space<vmem>>
      %dma_start3A_487 = arith.constant 0 : i32
      %dma_start3A_488 = tpu.memref_slice %arg5[%add3A_483, %dma_start3A_487] : memref<104x128xi32, #tpu.memory_space<vmem>> -> memref<1x128xi32, #tpu.memory_space<vmem>>
      %dma_start3A_489 = tpu.memref_squeeze %dma_start3A_488 : memref<1x128xi32, #tpu.memory_space<vmem>> -> memref<128xi32, #tpu.memory_space<vmem>>
      %dma_start3A_490 = arith.constant 0 : i32
      %dma_start3A_491 = arith.constant 0 : i32
      %dma_start3A_492 = tpu.memref_slice %arg3[%dma_start3A_490, %dma_start3A_491] : memref<2768896x16xf32, #tpu.memory_space<hbm>> -> memref<2768896x16xf32, #tpu.memory_space<hbm>>
      tpu.enqueue_indirect_dma source(%dma_start3A_492 : memref<2768896x16xf32, #tpu.memory_space<hbm>>) target(%dma_start3A_486 : memref<128x16xf32, #tpu.memory_space<vmem>>) offsets(%dma_start3A_489 : memref<128xi32, #tpu.memory_space<vmem>>) semaphore(%arg8 : memref<!tpu.dma_semaphore, #tpu.memory_space<semaphore_mem>>)
      %mul3A_493 = arith.constant 8 : i32
      %mul3A_494 = arith.muli %add3A_401, %mul3A_493 : i32
      %add3A_495 = arith.constant 7 : i32
      %add3A_496 = arith.addi %mul3A_494, %add3A_495 : i32
      %dma_start3A_497 = arith.constant 896 : i32
      %dma_start3A_498 = arith.constant 0 : i32
      %dma_start3A_499 = tpu.memref_slice %arg6[%dma_start3A_497, %dma_start3A_498] : memref<1024x16xf32, #tpu.memory_space<vmem>> -> memref<128x16xf32, #tpu.memory_space<vmem>>
      %dma_start3A_500 = arith.constant 0 : i32
      %dma_start3A_501 = tpu.memref_slice %arg5[%add3A_496, %dma_start3A_500] : memref<104x128xi32, #tpu.memory_space<vmem>> -> memref<1x128xi32, #tpu.memory_space<vmem>>
      %dma_start3A_502 = tpu.memref_squeeze %dma_start3A_501 : memref<1x128xi32, #tpu.memory_space<vmem>> -> memref<128xi32, #tpu.memory_space<vmem>>
      %dma_start3A_503 = arith.constant 0 : i32
      %dma_start3A_504 = arith.constant 0 : i32
      %dma_start3A_505 = tpu.memref_slice %arg3[%dma_start3A_503, %dma_start3A_504] : memref<2768896x16xf32, #tpu.memory_space<hbm>> -> memref<2768896x16xf32, #tpu.memory_space<hbm>>
      tpu.enqueue_indirect_dma source(%dma_start3A_505 : memref<2768896x16xf32, #tpu.memory_space<hbm>>) target(%dma_start3A_499 : memref<128x16xf32, #tpu.memory_space<vmem>>) offsets(%dma_start3A_502 : memref<128xi32, #tpu.memory_space<vmem>>) semaphore(%arg8 : memref<!tpu.dma_semaphore, #tpu.memory_space<semaphore_mem>>)
      %dma_wait3A_506 = arith.constant 0 : i32
      %dma_wait3A_507 = arith.constant 0 : i32
      %dma_wait3A_508 = tpu.memref_slice %arg7[%dma_wait3A_506, %dma_wait3A_507] : memref<1024x16xf32, #tpu.memory_space<vmem>> -> memref<128x16xf32, #tpu.memory_space<vmem>>
      %dma_wait3A_509 = arith.constant 0 : i32
      %dma_wait3A_510 = arith.constant 0 : i32
      %dma_wait3A_511 = tpu.memref_slice %arg3[%dma_wait3A_509, %dma_wait3A_510] : memref<2768896x16xf32, #tpu.memory_space<hbm>> -> memref<128x16xf32, #tpu.memory_space<hbm>>
      %dma_wait3A_512 = arith.constant 0 : i32
      %dma_wait3A_513 = arith.constant 0 : i32
      %dma_wait3A_514 = tpu.memref_slice %arg7[%dma_wait3A_512, %dma_wait3A_513] : memref<1024x16xf32, #tpu.memory_space<vmem>> -> memref<128x16xf32, #tpu.memory_space<vmem>>
      %dma_wait3A_515 = arith.constant 0 : i32
      %dma_wait3A_516 = arith.constant 0 : i32
      %dma_wait3A_517 = tpu.memref_slice %arg3[%dma_wait3A_515, %dma_wait3A_516] : memref<2768896x16xf32, #tpu.memory_space<hbm>> -> memref<128x16xf32, #tpu.memory_space<hbm>>
      tpu.wait_dma2 semaphore(%arg9 : memref<!tpu.dma_semaphore, #tpu.memory_space<semaphore_mem>>) src(%dma_wait3A_517 : memref<128x16xf32, #tpu.memory_space<hbm>>) dst(%dma_wait3A_514 : memref<128x16xf32, #tpu.memory_space<vmem>>)
      %dma_wait3A_518 = arith.constant 128 : i32
      %dma_wait3A_519 = arith.constant 0 : i32
      %dma_wait3A_520 = tpu.memref_slice %arg7[%dma_wait3A_518, %dma_wait3A_519] : memref<1024x16xf32, #tpu.memory_space<vmem>> -> memref<128x16xf32, #tpu.memory_space<vmem>>
      %dma_wait3A_521 = arith.constant 0 : i32
      %dma_wait3A_522 = arith.constant 0 : i32
      %dma_wait3A_523 = tpu.memref_slice %arg3[%dma_wait3A_521, %dma_wait3A_522] : memref<2768896x16xf32, #tpu.memory_space<hbm>> -> memref<128x16xf32, #tpu.memory_space<hbm>>
      %dma_wait3A_524 = arith.constant 128 : i32
      %dma_wait3A_525 = arith.constant 0 : i32
      %dma_wait3A_526 = tpu.memref_slice %arg7[%dma_wait3A_524, %dma_wait3A_525] : memref<1024x16xf32, #tpu.memory_space<vmem>> -> memref<128x16xf32, #tpu.memory_space<vmem>>
      %dma_wait3A_527 = arith.constant 0 : i32
      %dma_wait3A_528 = arith.constant 0 : i32
      %dma_wait3A_529 = tpu.memref_slice %arg3[%dma_wait3A_527, %dma_wait3A_528] : memref<2768896x16xf32, #tpu.memory_space<hbm>> -> memref<128x16xf32, #tpu.memory_space<hbm>>
      tpu.wait_dma2 semaphore(%arg9 : memref<!tpu.dma_semaphore, #tpu.memory_space<semaphore_mem>>) src(%dma_wait3A_529 : memref<128x16xf32, #tpu.memory_space<hbm>>) dst(%dma_wait3A_526 : memref<128x16xf32, #tpu.memory_space<vmem>>)
      %dma_wait3A_530 = arith.constant 256 : i32
      %dma_wait3A_531 = arith.constant 0 : i32
      %dma_wait3A_532 = tpu.memref_slice %arg7[%dma_wait3A_530, %dma_wait3A_531] : memref<1024x16xf32, #tpu.memory_space<vmem>> -> memref<128x16xf32, #tpu.memory_space<vmem>>
      %dma_wait3A_533 = arith.constant 0 : i32
      %dma_wait3A_534 = arith.constant 0 : i32
      %dma_wait3A_535 = tpu.memref_slice %arg3[%dma_wait3A_533, %dma_wait3A_534] : memref<2768896x16xf32, #tpu.memory_space<hbm>> -> memref<128x16xf32, #tpu.memory_space<hbm>>
      %dma_wait3A_536 = arith.constant 256 : i32
      %dma_wait3A_537 = arith.constant 0 : i32
      %dma_wait3A_538 = tpu.memref_slice %arg7[%dma_wait3A_536, %dma_wait3A_537] : memref<1024x16xf32, #tpu.memory_space<vmem>> -> memref<128x16xf32, #tpu.memory_space<vmem>>
      %dma_wait3A_539 = arith.constant 0 : i32
      %dma_wait3A_540 = arith.constant 0 : i32
      %dma_wait3A_541 = tpu.memref_slice %arg3[%dma_wait3A_539, %dma_wait3A_540] : memref<2768896x16xf32, #tpu.memory_space<hbm>> -> memref<128x16xf32, #tpu.memory_space<hbm>>
      tpu.wait_dma2 semaphore(%arg9 : memref<!tpu.dma_semaphore, #tpu.memory_space<semaphore_mem>>) src(%dma_wait3A_541 : memref<128x16xf32, #tpu.memory_space<hbm>>) dst(%dma_wait3A_538 : memref<128x16xf32, #tpu.memory_space<vmem>>)
      %dma_wait3A_542 = arith.constant 384 : i32
      %dma_wait3A_543 = arith.constant 0 : i32
      %dma_wait3A_544 = tpu.memref_slice %arg7[%dma_wait3A_542, %dma_wait3A_543] : memref<1024x16xf32, #tpu.memory_space<vmem>> -> memref<128x16xf32, #tpu.memory_space<vmem>>
      %dma_wait3A_545 = arith.constant 0 : i32
      %dma_wait3A_546 = arith.constant 0 : i32
      %dma_wait3A_547 = tpu.memref_slice %arg3[%dma_wait3A_545, %dma_wait3A_546] : memref<2768896x16xf32, #tpu.memory_space<hbm>> -> memref<128x16xf32, #tpu.memory_space<hbm>>
      %dma_wait3A_548 = arith.constant 384 : i32
      %dma_wait3A_549 = arith.constant 0 : i32
      %dma_wait3A_550 = tpu.memref_slice %arg7[%dma_wait3A_548, %dma_wait3A_549] : memref<1024x16xf32, #tpu.memory_space<vmem>> -> memref<128x16xf32, #tpu.memory_space<vmem>>
      %dma_wait3A_551 = arith.constant 0 : i32
      %dma_wait3A_552 = arith.constant 0 : i32
      %dma_wait3A_553 = tpu.memref_slice %arg3[%dma_wait3A_551, %dma_wait3A_552] : memref<2768896x16xf32, #tpu.memory_space<hbm>> -> memref<128x16xf32, #tpu.memory_space<hbm>>
      tpu.wait_dma2 semaphore(%arg9 : memref<!tpu.dma_semaphore, #tpu.memory_space<semaphore_mem>>) src(%dma_wait3A_553 : memref<128x16xf32, #tpu.memory_space<hbm>>) dst(%dma_wait3A_550 : memref<128x16xf32, #tpu.memory_space<vmem>>)
      %dma_wait3A_554 = arith.constant 512 : i32
      %dma_wait3A_555 = arith.constant 0 : i32
      %dma_wait3A_556 = tpu.memref_slice %arg7[%dma_wait3A_554, %dma_wait3A_555] : memref<1024x16xf32, #tpu.memory_space<vmem>> -> memref<128x16xf32, #tpu.memory_space<vmem>>
      %dma_wait3A_557 = arith.constant 0 : i32
      %dma_wait3A_558 = arith.constant 0 : i32
      %dma_wait3A_559 = tpu.memref_slice %arg3[%dma_wait3A_557, %dma_wait3A_558] : memref<2768896x16xf32, #tpu.memory_space<hbm>> -> memref<128x16xf32, #tpu.memory_space<hbm>>
      %dma_wait3A_560 = arith.constant 512 : i32
      %dma_wait3A_561 = arith.constant 0 : i32
      %dma_wait3A_562 = tpu.memref_slice %arg7[%dma_wait3A_560, %dma_wait3A_561] : memref<1024x16xf32, #tpu.memory_space<vmem>> -> memref<128x16xf32, #tpu.memory_space<vmem>>
      %dma_wait3A_563 = arith.constant 0 : i32
      %dma_wait3A_564 = arith.constant 0 : i32
      %dma_wait3A_565 = tpu.memref_slice %arg3[%dma_wait3A_563, %dma_wait3A_564] : memref<2768896x16xf32, #tpu.memory_space<hbm>> -> memref<128x16xf32, #tpu.memory_space<hbm>>
      tpu.wait_dma2 semaphore(%arg9 : memref<!tpu.dma_semaphore, #tpu.memory_space<semaphore_mem>>) src(%dma_wait3A_565 : memref<128x16xf32, #tpu.memory_space<hbm>>) dst(%dma_wait3A_562 : memref<128x16xf32, #tpu.memory_space<vmem>>)
      %dma_wait3A_566 = arith.constant 640 : i32
      %dma_wait3A_567 = arith.constant 0 : i32
      %dma_wait3A_568 = tpu.memref_slice %arg7[%dma_wait3A_566, %dma_wait3A_567] : memref<1024x16xf32, #tpu.memory_space<vmem>> -> memref<128x16xf32, #tpu.memory_space<vmem>>
      %dma_wait3A_569 = arith.constant 0 : i32
      %dma_wait3A_570 = arith.constant 0 : i32
      %dma_wait3A_571 = tpu.memref_slice %arg3[%dma_wait3A_569, %dma_wait3A_570] : memref<2768896x16xf32, #tpu.memory_space<hbm>> -> memref<128x16xf32, #tpu.memory_space<hbm>>
      %dma_wait3A_572 = arith.constant 640 : i32
      %dma_wait3A_573 = arith.constant 0 : i32
      %dma_wait3A_574 = tpu.memref_slice %arg7[%dma_wait3A_572, %dma_wait3A_573] : memref<1024x16xf32, #tpu.memory_space<vmem>> -> memref<128x16xf32, #tpu.memory_space<vmem>>
      %dma_wait3A_575 = arith.constant 0 : i32
      %dma_wait3A_576 = arith.constant 0 : i32
      %dma_wait3A_577 = tpu.memref_slice %arg3[%dma_wait3A_575, %dma_wait3A_576] : memref<2768896x16xf32, #tpu.memory_space<hbm>> -> memref<128x16xf32, #tpu.memory_space<hbm>>
      tpu.wait_dma2 semaphore(%arg9 : memref<!tpu.dma_semaphore, #tpu.memory_space<semaphore_mem>>) src(%dma_wait3A_577 : memref<128x16xf32, #tpu.memory_space<hbm>>) dst(%dma_wait3A_574 : memref<128x16xf32, #tpu.memory_space<vmem>>)
      %dma_wait3A_578 = arith.constant 768 : i32
      %dma_wait3A_579 = arith.constant 0 : i32
      %dma_wait3A_580 = tpu.memref_slice %arg7[%dma_wait3A_578, %dma_wait3A_579] : memref<1024x16xf32, #tpu.memory_space<vmem>> -> memref<128x16xf32, #tpu.memory_space<vmem>>
      %dma_wait3A_581 = arith.constant 0 : i32
      %dma_wait3A_582 = arith.constant 0 : i32
      %dma_wait3A_583 = tpu.memref_slice %arg3[%dma_wait3A_581, %dma_wait3A_582] : memref<2768896x16xf32, #tpu.memory_space<hbm>> -> memref<128x16xf32, #tpu.memory_space<hbm>>
      %dma_wait3A_584 = arith.constant 768 : i32
      %dma_wait3A_585 = arith.constant 0 : i32
      %dma_wait3A_586 = tpu.memref_slice %arg7[%dma_wait3A_584, %dma_wait3A_585] : memref<1024x16xf32, #tpu.memory_space<vmem>> -> memref<128x16xf32, #tpu.memory_space<vmem>>
      %dma_wait3A_587 = arith.constant 0 : i32
      %dma_wait3A_588 = arith.constant 0 : i32
      %dma_wait3A_589 = tpu.memref_slice %arg3[%dma_wait3A_587, %dma_wait3A_588] : memref<2768896x16xf32, #tpu.memory_space<hbm>> -> memref<128x16xf32, #tpu.memory_space<hbm>>
      tpu.wait_dma2 semaphore(%arg9 : memref<!tpu.dma_semaphore, #tpu.memory_space<semaphore_mem>>) src(%dma_wait3A_589 : memref<128x16xf32, #tpu.memory_space<hbm>>) dst(%dma_wait3A_586 : memref<128x16xf32, #tpu.memory_space<vmem>>)
      %dma_wait3A_590 = arith.constant 896 : i32
      %dma_wait3A_591 = arith.constant 0 : i32
      %dma_wait3A_592 = tpu.memref_slice %arg7[%dma_wait3A_590, %dma_wait3A_591] : memref<1024x16xf32, #tpu.memory_space<vmem>> -> memref<128x16xf32, #tpu.memory_space<vmem>>
      %dma_wait3A_593 = arith.constant 0 : i32
      %dma_wait3A_594 = arith.constant 0 : i32
      %dma_wait3A_595 = tpu.memref_slice %arg3[%dma_wait3A_593, %dma_wait3A_594] : memref<2768896x16xf32, #tpu.memory_space<hbm>> -> memref<128x16xf32, #tpu.memory_space<hbm>>
      %dma_wait3A_596 = arith.constant 896 : i32
      %dma_wait3A_597 = arith.constant 0 : i32
      %dma_wait3A_598 = tpu.memref_slice %arg7[%dma_wait3A_596, %dma_wait3A_597] : memref<1024x16xf32, #tpu.memory_space<vmem>> -> memref<128x16xf32, #tpu.memory_space<vmem>>
      %dma_wait3A_599 = arith.constant 0 : i32
      %dma_wait3A_600 = arith.constant 0 : i32
      %dma_wait3A_601 = tpu.memref_slice %arg3[%dma_wait3A_599, %dma_wait3A_600] : memref<2768896x16xf32, #tpu.memory_space<hbm>> -> memref<128x16xf32, #tpu.memory_space<hbm>>
      tpu.wait_dma2 semaphore(%arg9 : memref<!tpu.dma_semaphore, #tpu.memory_space<semaphore_mem>>) src(%dma_wait3A_601 : memref<128x16xf32, #tpu.memory_space<hbm>>) dst(%dma_wait3A_598 : memref<128x16xf32, #tpu.memory_space<vmem>>)
      %add3A_602 = arith.constant 1 : i32
      %add3A_603 = arith.addi %mul3A_194, %add3A_602 : i32
      %mul3A_604 = arith.constant 1024 : i32
      %mul3A_605 = arith.muli %add3A_603, %mul3A_604 : i32
      %add3A_606 = arith.addi %mul3A_2, %mul3A_605 : i32
      "tpu.region"() ({
        %run_scoped3A = tpu.sem_alloc : memref<!tpu.dma_semaphore, #tpu.memory_space<semaphore_mem>>
        %dma_start3A_607 = arith.constant 0 : i32
        %dma_start3A_608 = tpu.memref_slice %arg4[%add3A_606, %dma_start3A_607] : memref<425984x16xf32, #tpu.memory_space<hbm>> -> memref<1024x16xf32, #tpu.memory_space<hbm>>
        %dma_start3A_609 = arith.constant 0 : i32
        %dma_start3A_610 = tpu.memref_slice %arg4[%add3A_606, %dma_start3A_609] : memref<425984x16xf32, #tpu.memory_space<hbm>> -> memref<1024x16xf32, #tpu.memory_space<hbm>>
        tpu.enqueue_dma source(%arg7 : memref<1024x16xf32, #tpu.memory_space<vmem>>) target(%dma_start3A_610 : memref<1024x16xf32, #tpu.memory_space<hbm>>) target_semaphore(%run_scoped3A : memref<!tpu.dma_semaphore, #tpu.memory_space<semaphore_mem>>)
        %dma_wait3A_611 = arith.constant 0 : i32
        %dma_wait3A_612 = tpu.memref_slice %arg4[%add3A_606, %dma_wait3A_611] : memref<425984x16xf32, #tpu.memory_space<hbm>> -> memref<1024x16xf32, #tpu.memory_space<hbm>>
        %dma_wait3A_613 = arith.constant 0 : i32
        %dma_wait3A_614 = tpu.memref_slice %arg4[%add3A_606, %dma_wait3A_613] : memref<425984x16xf32, #tpu.memory_space<hbm>> -> memref<1024x16xf32, #tpu.memory_space<hbm>>
        tpu.wait_dma2 semaphore(%run_scoped3A : memref<!tpu.dma_semaphore, #tpu.memory_space<semaphore_mem>>) src(%arg7 : memref<1024x16xf32, #tpu.memory_space<vmem>>) dst(%dma_wait3A_614 : memref<1024x16xf32, #tpu.memory_space<hbm>>)
        tpu.yield
      }) : () -> ()
    }
    %scan3A_94 = arith.constant 6 : i32
    %dma_wait3A = arith.constant 0 : i32
    %dma_wait3A_95 = arith.constant 0 : i32
    %dma_wait3A_96 = tpu.memref_slice %arg6[%dma_wait3A, %dma_wait3A_95] : memref<1024x16xf32, #tpu.memory_space<vmem>> -> memref<128x16xf32, #tpu.memory_space<vmem>>
    %dma_wait3A_97 = arith.constant 0 : i32
    %dma_wait3A_98 = arith.constant 0 : i32
    %dma_wait3A_99 = tpu.memref_slice %arg3[%dma_wait3A_97, %dma_wait3A_98] : memref<2768896x16xf32, #tpu.memory_space<hbm>> -> memref<128x16xf32, #tpu.memory_space<hbm>>
    %dma_wait3A_100 = arith.constant 0 : i32
    %dma_wait3A_101 = arith.constant 0 : i32
    %dma_wait3A_102 = tpu.memref_slice %arg6[%dma_wait3A_100, %dma_wait3A_101] : memref<1024x16xf32, #tpu.memory_space<vmem>> -> memref<128x16xf32, #tpu.memory_space<vmem>>
    %dma_wait3A_103 = arith.constant 0 : i32
    %dma_wait3A_104 = arith.constant 0 : i32
    %dma_wait3A_105 = tpu.memref_slice %arg3[%dma_wait3A_103, %dma_wait3A_104] : memref<2768896x16xf32, #tpu.memory_space<hbm>> -> memref<128x16xf32, #tpu.memory_space<hbm>>
    tpu.wait_dma2 semaphore(%arg8 : memref<!tpu.dma_semaphore, #tpu.memory_space<semaphore_mem>>) src(%dma_wait3A_105 : memref<128x16xf32, #tpu.memory_space<hbm>>) dst(%dma_wait3A_102 : memref<128x16xf32, #tpu.memory_space<vmem>>)
    %dma_wait3A_106 = arith.constant 128 : i32
    %dma_wait3A_107 = arith.constant 0 : i32
    %dma_wait3A_108 = tpu.memref_slice %arg6[%dma_wait3A_106, %dma_wait3A_107] : memref<1024x16xf32, #tpu.memory_space<vmem>> -> memref<128x16xf32, #tpu.memory_space<vmem>>
    %dma_wait3A_109 = arith.constant 0 : i32
    %dma_wait3A_110 = arith.constant 0 : i32
    %dma_wait3A_111 = tpu.memref_slice %arg3[%dma_wait3A_109, %dma_wait3A_110] : memref<2768896x16xf32, #tpu.memory_space<hbm>> -> memref<128x16xf32, #tpu.memory_space<hbm>>
    %dma_wait3A_112 = arith.constant 128 : i32
    %dma_wait3A_113 = arith.constant 0 : i32
    %dma_wait3A_114 = tpu.memref_slice %arg6[%dma_wait3A_112, %dma_wait3A_113] : memref<1024x16xf32, #tpu.memory_space<vmem>> -> memref<128x16xf32, #tpu.memory_space<vmem>>
    %dma_wait3A_115 = arith.constant 0 : i32
    %dma_wait3A_116 = arith.constant 0 : i32
    %dma_wait3A_117 = tpu.memref_slice %arg3[%dma_wait3A_115, %dma_wait3A_116] : memref<2768896x16xf32, #tpu.memory_space<hbm>> -> memref<128x16xf32, #tpu.memory_space<hbm>>
    tpu.wait_dma2 semaphore(%arg8 : memref<!tpu.dma_semaphore, #tpu.memory_space<semaphore_mem>>) src(%dma_wait3A_117 : memref<128x16xf32, #tpu.memory_space<hbm>>) dst(%dma_wait3A_114 : memref<128x16xf32, #tpu.memory_space<vmem>>)
    %dma_wait3A_118 = arith.constant 256 : i32
    %dma_wait3A_119 = arith.constant 0 : i32
    %dma_wait3A_120 = tpu.memref_slice %arg6[%dma_wait3A_118, %dma_wait3A_119] : memref<1024x16xf32, #tpu.memory_space<vmem>> -> memref<128x16xf32, #tpu.memory_space<vmem>>
    %dma_wait3A_121 = arith.constant 0 : i32
    %dma_wait3A_122 = arith.constant 0 : i32
    %dma_wait3A_123 = tpu.memref_slice %arg3[%dma_wait3A_121, %dma_wait3A_122] : memref<2768896x16xf32, #tpu.memory_space<hbm>> -> memref<128x16xf32, #tpu.memory_space<hbm>>
    %dma_wait3A_124 = arith.constant 256 : i32
    %dma_wait3A_125 = arith.constant 0 : i32
    %dma_wait3A_126 = tpu.memref_slice %arg6[%dma_wait3A_124, %dma_wait3A_125] : memref<1024x16xf32, #tpu.memory_space<vmem>> -> memref<128x16xf32, #tpu.memory_space<vmem>>
    %dma_wait3A_127 = arith.constant 0 : i32
    %dma_wait3A_128 = arith.constant 0 : i32
    %dma_wait3A_129 = tpu.memref_slice %arg3[%dma_wait3A_127, %dma_wait3A_128] : memref<2768896x16xf32, #tpu.memory_space<hbm>> -> memref<128x16xf32, #tpu.memory_space<hbm>>
    tpu.wait_dma2 semaphore(%arg8 : memref<!tpu.dma_semaphore, #tpu.memory_space<semaphore_mem>>) src(%dma_wait3A_129 : memref<128x16xf32, #tpu.memory_space<hbm>>) dst(%dma_wait3A_126 : memref<128x16xf32, #tpu.memory_space<vmem>>)
    %dma_wait3A_130 = arith.constant 384 : i32
    %dma_wait3A_131 = arith.constant 0 : i32
    %dma_wait3A_132 = tpu.memref_slice %arg6[%dma_wait3A_130, %dma_wait3A_131] : memref<1024x16xf32, #tpu.memory_space<vmem>> -> memref<128x16xf32, #tpu.memory_space<vmem>>
    %dma_wait3A_133 = arith.constant 0 : i32
    %dma_wait3A_134 = arith.constant 0 : i32
    %dma_wait3A_135 = tpu.memref_slice %arg3[%dma_wait3A_133, %dma_wait3A_134] : memref<2768896x16xf32, #tpu.memory_space<hbm>> -> memref<128x16xf32, #tpu.memory_space<hbm>>
    %dma_wait3A_136 = arith.constant 384 : i32
    %dma_wait3A_137 = arith.constant 0 : i32
    %dma_wait3A_138 = tpu.memref_slice %arg6[%dma_wait3A_136, %dma_wait3A_137] : memref<1024x16xf32, #tpu.memory_space<vmem>> -> memref<128x16xf32, #tpu.memory_space<vmem>>
    %dma_wait3A_139 = arith.constant 0 : i32
    %dma_wait3A_140 = arith.constant 0 : i32
    %dma_wait3A_141 = tpu.memref_slice %arg3[%dma_wait3A_139, %dma_wait3A_140] : memref<2768896x16xf32, #tpu.memory_space<hbm>> -> memref<128x16xf32, #tpu.memory_space<hbm>>
    tpu.wait_dma2 semaphore(%arg8 : memref<!tpu.dma_semaphore, #tpu.memory_space<semaphore_mem>>) src(%dma_wait3A_141 : memref<128x16xf32, #tpu.memory_space<hbm>>) dst(%dma_wait3A_138 : memref<128x16xf32, #tpu.memory_space<vmem>>)
    %dma_wait3A_142 = arith.constant 512 : i32
    %dma_wait3A_143 = arith.constant 0 : i32
    %dma_wait3A_144 = tpu.memref_slice %arg6[%dma_wait3A_142, %dma_wait3A_143] : memref<1024x16xf32, #tpu.memory_space<vmem>> -> memref<128x16xf32, #tpu.memory_space<vmem>>
    %dma_wait3A_145 = arith.constant 0 : i32
    %dma_wait3A_146 = arith.constant 0 : i32
    %dma_wait3A_147 = tpu.memref_slice %arg3[%dma_wait3A_145, %dma_wait3A_146] : memref<2768896x16xf32, #tpu.memory_space<hbm>> -> memref<128x16xf32, #tpu.memory_space<hbm>>
    %dma_wait3A_148 = arith.constant 512 : i32
    %dma_wait3A_149 = arith.constant 0 : i32
    %dma_wait3A_150 = tpu.memref_slice %arg6[%dma_wait3A_148, %dma_wait3A_149] : memref<1024x16xf32, #tpu.memory_space<vmem>> -> memref<128x16xf32, #tpu.memory_space<vmem>>
    %dma_wait3A_151 = arith.constant 0 : i32
    %dma_wait3A_152 = arith.constant 0 : i32
    %dma_wait3A_153 = tpu.memref_slice %arg3[%dma_wait3A_151, %dma_wait3A_152] : memref<2768896x16xf32, #tpu.memory_space<hbm>> -> memref<128x16xf32, #tpu.memory_space<hbm>>
    tpu.wait_dma2 semaphore(%arg8 : memref<!tpu.dma_semaphore, #tpu.memory_space<semaphore_mem>>) src(%dma_wait3A_153 : memref<128x16xf32, #tpu.memory_space<hbm>>) dst(%dma_wait3A_150 : memref<128x16xf32, #tpu.memory_space<vmem>>)
    %dma_wait3A_154 = arith.constant 640 : i32
    %dma_wait3A_155 = arith.constant 0 : i32
    %dma_wait3A_156 = tpu.memref_slice %arg6[%dma_wait3A_154, %dma_wait3A_155] : memref<1024x16xf32, #tpu.memory_space<vmem>> -> memref<128x16xf32, #tpu.memory_space<vmem>>
    %dma_wait3A_157 = arith.constant 0 : i32
    %dma_wait3A_158 = arith.constant 0 : i32
    %dma_wait3A_159 = tpu.memref_slice %arg3[%dma_wait3A_157, %dma_wait3A_158] : memref<2768896x16xf32, #tpu.memory_space<hbm>> -> memref<128x16xf32, #tpu.memory_space<hbm>>
    %dma_wait3A_160 = arith.constant 640 : i32
    %dma_wait3A_161 = arith.constant 0 : i32
    %dma_wait3A_162 = tpu.memref_slice %arg6[%dma_wait3A_160, %dma_wait3A_161] : memref<1024x16xf32, #tpu.memory_space<vmem>> -> memref<128x16xf32, #tpu.memory_space<vmem>>
    %dma_wait3A_163 = arith.constant 0 : i32
    %dma_wait3A_164 = arith.constant 0 : i32
    %dma_wait3A_165 = tpu.memref_slice %arg3[%dma_wait3A_163, %dma_wait3A_164] : memref<2768896x16xf32, #tpu.memory_space<hbm>> -> memref<128x16xf32, #tpu.memory_space<hbm>>
    tpu.wait_dma2 semaphore(%arg8 : memref<!tpu.dma_semaphore, #tpu.memory_space<semaphore_mem>>) src(%dma_wait3A_165 : memref<128x16xf32, #tpu.memory_space<hbm>>) dst(%dma_wait3A_162 : memref<128x16xf32, #tpu.memory_space<vmem>>)
    %dma_wait3A_166 = arith.constant 768 : i32
    %dma_wait3A_167 = arith.constant 0 : i32
    %dma_wait3A_168 = tpu.memref_slice %arg6[%dma_wait3A_166, %dma_wait3A_167] : memref<1024x16xf32, #tpu.memory_space<vmem>> -> memref<128x16xf32, #tpu.memory_space<vmem>>
    %dma_wait3A_169 = arith.constant 0 : i32
    %dma_wait3A_170 = arith.constant 0 : i32
    %dma_wait3A_171 = tpu.memref_slice %arg3[%dma_wait3A_169, %dma_wait3A_170] : memref<2768896x16xf32, #tpu.memory_space<hbm>> -> memref<128x16xf32, #tpu.memory_space<hbm>>
    %dma_wait3A_172 = arith.constant 768 : i32
    %dma_wait3A_173 = arith.constant 0 : i32
    %dma_wait3A_174 = tpu.memref_slice %arg6[%dma_wait3A_172, %dma_wait3A_173] : memref<1024x16xf32, #tpu.memory_space<vmem>> -> memref<128x16xf32, #tpu.memory_space<vmem>>
    %dma_wait3A_175 = arith.constant 0 : i32
    %dma_wait3A_176 = arith.constant 0 : i32
    %dma_wait3A_177 = tpu.memref_slice %arg3[%dma_wait3A_175, %dma_wait3A_176] : memref<2768896x16xf32, #tpu.memory_space<hbm>> -> memref<128x16xf32, #tpu.memory_space<hbm>>
    tpu.wait_dma2 semaphore(%arg8 : memref<!tpu.dma_semaphore, #tpu.memory_space<semaphore_mem>>) src(%dma_wait3A_177 : memref<128x16xf32, #tpu.memory_space<hbm>>) dst(%dma_wait3A_174 : memref<128x16xf32, #tpu.memory_space<vmem>>)
    %dma_wait3A_178 = arith.constant 896 : i32
    %dma_wait3A_179 = arith.constant 0 : i32
    %dma_wait3A_180 = tpu.memref_slice %arg6[%dma_wait3A_178, %dma_wait3A_179] : memref<1024x16xf32, #tpu.memory_space<vmem>> -> memref<128x16xf32, #tpu.memory_space<vmem>>
    %dma_wait3A_181 = arith.constant 0 : i32
    %dma_wait3A_182 = arith.constant 0 : i32
    %dma_wait3A_183 = tpu.memref_slice %arg3[%dma_wait3A_181, %dma_wait3A_182] : memref<2768896x16xf32, #tpu.memory_space<hbm>> -> memref<128x16xf32, #tpu.memory_space<hbm>>
    %dma_wait3A_184 = arith.constant 896 : i32
    %dma_wait3A_185 = arith.constant 0 : i32
    %dma_wait3A_186 = tpu.memref_slice %arg6[%dma_wait3A_184, %dma_wait3A_185] : memref<1024x16xf32, #tpu.memory_space<vmem>> -> memref<128x16xf32, #tpu.memory_space<vmem>>
    %dma_wait3A_187 = arith.constant 0 : i32
    %dma_wait3A_188 = arith.constant 0 : i32
    %dma_wait3A_189 = tpu.memref_slice %arg3[%dma_wait3A_187, %dma_wait3A_188] : memref<2768896x16xf32, #tpu.memory_space<hbm>> -> memref<128x16xf32, #tpu.memory_space<hbm>>
    tpu.wait_dma2 semaphore(%arg8 : memref<!tpu.dma_semaphore, #tpu.memory_space<semaphore_mem>>) src(%dma_wait3A_189 : memref<128x16xf32, #tpu.memory_space<hbm>>) dst(%dma_wait3A_186 : memref<128x16xf32, #tpu.memory_space<vmem>>)
    %add3A_190 = arith.constant 12288 : i32
    %add3A_191 = arith.addi %mul3A_2, %add3A_190 : i32
    "tpu.region"() ({
      %run_scoped3A = tpu.sem_alloc : memref<!tpu.dma_semaphore, #tpu.memory_space<semaphore_mem>>
      %dma_start3A_192 = arith.constant 0 : i32
      %dma_start3A_193 = tpu.memref_slice %arg4[%add3A_191, %dma_start3A_192] : memref<425984x16xf32, #tpu.memory_space<hbm>> -> memref<1024x16xf32, #tpu.memory_space<hbm>>
      %dma_start3A_194 = arith.constant 0 : i32
      %dma_start3A_195 = tpu.memref_slice %arg4[%add3A_191, %dma_start3A_194] : memref<425984x16xf32, #tpu.memory_space<hbm>> -> memref<1024x16xf32, #tpu.memory_space<hbm>>
      tpu.enqueue_dma source(%arg6 : memref<1024x16xf32, #tpu.memory_space<vmem>>) target(%dma_start3A_195 : memref<1024x16xf32, #tpu.memory_space<hbm>>) target_semaphore(%run_scoped3A : memref<!tpu.dma_semaphore, #tpu.memory_space<semaphore_mem>>)
      %dma_wait3A_196 = arith.constant 0 : i32
      %dma_wait3A_197 = tpu.memref_slice %arg4[%add3A_191, %dma_wait3A_196] : memref<425984x16xf32, #tpu.memory_space<hbm>> -> memref<1024x16xf32, #tpu.memory_space<hbm>>
      %dma_wait3A_198 = arith.constant 0 : i32
      %dma_wait3A_199 = tpu.memref_slice %arg4[%add3A_191, %dma_wait3A_198] : memref<425984x16xf32, #tpu.memory_space<hbm>> -> memref<1024x16xf32, #tpu.memory_space<hbm>>
      tpu.wait_dma2 semaphore(%run_scoped3A : memref<!tpu.dma_semaphore, #tpu.memory_space<semaphore_mem>>) src(%arg6 : memref<1024x16xf32, #tpu.memory_space<vmem>>) dst(%dma_wait3A_199 : memref<1024x16xf32, #tpu.memory_space<hbm>>)
      tpu.yield
    }) : () -> ()
    return
  }
}

module attributes {stable_mosaic.version = 14 : i64} {
  func.func @body(%arg0: i32, %arg1: i32, %arg2: memref<1x32x1024xf32, #tpu.memory_space<vmem>>, %arg3: memref<1x32x1024xf32, #tpu.memory_space<vmem>>, %arg4: memref<1x32x1024xf32, #tpu.memory_space<vmem>>, %arg5: memref<1x32x1024xf32, #tpu.memory_space<vmem>>, %arg6: memref<1x32x1024xf32, #tpu.memory_space<vmem>>, %arg7: memref<1x32x1024xf32, #tpu.memory_space<vmem>>, %arg8: memref<1x32x1024xf32, #tpu.memory_space<vmem>>, %arg9: memref<1x32x1024xf32, #tpu.memory_space<vmem>>, %arg10: memref<1024x128xf32, #tpu.memory_space<vmem>>) attributes {dimension_semantics = [#tpu.dimension_semantics<arbitrary>, #tpu.dimension_semantics<arbitrary>], iteration_bounds = array<i64: 26, 13>, scalar_prefetch = 0 : i64, scratch_operands = 0 : i64, tpu.core_type = #tpu.core_type<tc>, window_params = [{transform_indices = @transform_0, window_bounds = array<i64: 1, 32, 1024>}, {transform_indices = @transform_1, window_bounds = array<i64: 1, 32, 1024>}, {transform_indices = @transform_2, window_bounds = array<i64: 1, 32, 1024>}, {transform_indices = @transform_3, window_bounds = array<i64: 1, 32, 1024>}, {transform_indices = @transform_4, window_bounds = array<i64: 1, 32, 1024>}, {transform_indices = @transform_5, window_bounds = array<i64: 1, 32, 1024>}, {transform_indices = @transform_6, window_bounds = array<i64: 1, 32, 1024>}, {transform_indices = @transform_7, window_bounds = array<i64: 1, 32, 1024>}, {transform_indices = @transform_8, window_bounds = array<i64: 1024, 128>}]} {
    %get3A = arith.constant 0 : index
    %get3A_0 = arith.constant 0 : index
    %get3A_1 = arith.constant 0 : index
    %get3A_2 = vector.load %arg2[%get3A, %get3A_0, %get3A_1] : memref<1x32x1024xf32, #tpu.memory_space<vmem>>, vector<1x32x1024xf32>
    %get3A_3 = vector.shape_cast %get3A_2 : vector<1x32x1024xf32> to vector<32x1024xf32>
    %get3A_4 = arith.constant 0 : index
    %get3A_5 = arith.constant 0 : index
    %get3A_6 = arith.constant 0 : index
    %get3A_7 = vector.load %arg3[%get3A_4, %get3A_5, %get3A_6] : memref<1x32x1024xf32, #tpu.memory_space<vmem>>, vector<1x32x1024xf32>
    %get3A_8 = vector.shape_cast %get3A_7 : vector<1x32x1024xf32> to vector<32x1024xf32>
    %get3A_9 = arith.constant 0 : index
    %get3A_10 = arith.constant 0 : index
    %get3A_11 = arith.constant 0 : index
    %get3A_12 = vector.load %arg4[%get3A_9, %get3A_10, %get3A_11] : memref<1x32x1024xf32, #tpu.memory_space<vmem>>, vector<1x32x1024xf32>
    %get3A_13 = vector.shape_cast %get3A_12 : vector<1x32x1024xf32> to vector<32x1024xf32>
    %get3A_14 = arith.constant 0 : index
    %get3A_15 = arith.constant 0 : index
    %get3A_16 = arith.constant 0 : index
    %get3A_17 = vector.load %arg5[%get3A_14, %get3A_15, %get3A_16] : memref<1x32x1024xf32, #tpu.memory_space<vmem>>, vector<1x32x1024xf32>
    %get3A_18 = vector.shape_cast %get3A_17 : vector<1x32x1024xf32> to vector<32x1024xf32>
    %get3A_19 = arith.constant 0 : index
    %get3A_20 = arith.constant 0 : index
    %get3A_21 = arith.constant 0 : index
    %get3A_22 = vector.load %arg6[%get3A_19, %get3A_20, %get3A_21] : memref<1x32x1024xf32, #tpu.memory_space<vmem>>, vector<1x32x1024xf32>
    %get3A_23 = vector.shape_cast %get3A_22 : vector<1x32x1024xf32> to vector<32x1024xf32>
    %get3A_24 = arith.constant 0 : index
    %get3A_25 = arith.constant 0 : index
    %get3A_26 = arith.constant 0 : index
    %get3A_27 = vector.load %arg7[%get3A_24, %get3A_25, %get3A_26] : memref<1x32x1024xf32, #tpu.memory_space<vmem>>, vector<1x32x1024xf32>
    %get3A_28 = vector.shape_cast %get3A_27 : vector<1x32x1024xf32> to vector<32x1024xf32>
    %get3A_29 = arith.constant 0 : index
    %get3A_30 = arith.constant 0 : index
    %get3A_31 = arith.constant 0 : index
    %get3A_32 = vector.load %arg8[%get3A_29, %get3A_30, %get3A_31] : memref<1x32x1024xf32, #tpu.memory_space<vmem>>, vector<1x32x1024xf32>
    %get3A_33 = vector.shape_cast %get3A_32 : vector<1x32x1024xf32> to vector<32x1024xf32>
    %get3A_34 = arith.constant 0 : index
    %get3A_35 = arith.constant 0 : index
    %get3A_36 = arith.constant 0 : index
    %get3A_37 = vector.load %arg9[%get3A_34, %get3A_35, %get3A_36] : memref<1x32x1024xf32, #tpu.memory_space<vmem>>, vector<1x32x1024xf32>
    %get3A_38 = vector.shape_cast %get3A_37 : vector<1x32x1024xf32> to vector<32x1024xf32>
    %concatenate3A = tpu.concatenate %get3A_3, %get3A_8, %get3A_13, %get3A_18, %get3A_23, %get3A_28, %get3A_33, %get3A_38 in 0 : vector<32x1024xf32>, vector<32x1024xf32>, vector<32x1024xf32>, vector<32x1024xf32>, vector<32x1024xf32>, vector<32x1024xf32>, vector<32x1024xf32>, vector<32x1024xf32> -> vector<256x1024xf32>
    %convert_element_type3A = arith.truncf %concatenate3A : vector<256x1024xf32> to vector<256x1024xbf16>
    %bitcast3A = tpu.bitcast %convert_element_type3A : vector<256x1024xbf16> -> vector<128x1024xf32>
    %transpose3A = tpu.transpose %bitcast3A, [1, 0] : vector<128x1024xf32> -> vector<1024x128xf32>
    %swap3A = arith.constant 0 : index
    %swap3A_39 = arith.constant 0 : index
    %swap3A_40 = vector.load %arg10[%swap3A, %swap3A_39] : memref<1024x128xf32, #tpu.memory_space<vmem>>, vector<1024x128xf32>
    tpu.vector_store %arg10[%swap3A, %swap3A_39], %transpose3A {strides = array<i32>} : memref<1024x128xf32, #tpu.memory_space<vmem>>, vector<1024x128xf32>,
    return
  }
  func.func @transform_0(%arg0: i32, %arg1: i32) -> (i32, i32, i32) {
    %add3A = arith.constant 0 : i32
    %add3A_0 = arith.addi %arg0, %add3A : i32
    %mul3A = arith.constant 8 : i32
    %mul3A_1 = arith.muli %mul3A, %arg1 : i32
    %add3A_2 = arith.constant 0 : i32
    %add3A_3 = arith.addi %mul3A_1, %add3A_2 : i32
    %min3A = arith.constant 97 : i32
    %min3A_4 = arith.minsi %add3A_3, %min3A : i32
    %c0_i32 = arith.constant 0 : i32
    %c0_i32_5 = arith.constant 0 : i32
    return %add3A_0, %c0_i32, %min3A_4 : i32, i32, i32
  }
  func.func @transform_1(%arg0: i32, %arg1: i32) -> (i32, i32, i32) {
    %add3A = arith.constant 0 : i32
    %add3A_0 = arith.addi %arg0, %add3A : i32
    %mul3A = arith.constant 8 : i32
    %mul3A_1 = arith.muli %mul3A, %arg1 : i32
    %add3A_2 = arith.constant 1 : i32
    %add3A_3 = arith.addi %mul3A_1, %add3A_2 : i32
    %min3A = arith.constant 97 : i32
    %min3A_4 = arith.minsi %add3A_3, %min3A : i32
    %c0_i32 = arith.constant 0 : i32
    %c0_i32_5 = arith.constant 0 : i32
    return %add3A_0, %c0_i32, %min3A_4 : i32, i32, i32
  }
  func.func @transform_2(%arg0: i32, %arg1: i32) -> (i32, i32, i32) {
    %add3A = arith.constant 0 : i32
    %add3A_0 = arith.addi %arg0, %add3A : i32
    %mul3A = arith.constant 8 : i32
    %mul3A_1 = arith.muli %mul3A, %arg1 : i32
    %add3A_2 = arith.constant 2 : i32
    %add3A_3 = arith.addi %mul3A_1, %add3A_2 : i32
    %min3A = arith.constant 97 : i32
    %min3A_4 = arith.minsi %add3A_3, %min3A : i32
    %c0_i32 = arith.constant 0 : i32
    %c0_i32_5 = arith.constant 0 : i32
    return %add3A_0, %c0_i32, %min3A_4 : i32, i32, i32
  }
  func.func @transform_3(%arg0: i32, %arg1: i32) -> (i32, i32, i32) {
    %add3A = arith.constant 0 : i32
    %add3A_0 = arith.addi %arg0, %add3A : i32
    %mul3A = arith.constant 8 : i32
    %mul3A_1 = arith.muli %mul3A, %arg1 : i32
    %add3A_2 = arith.constant 3 : i32
    %add3A_3 = arith.addi %mul3A_1, %add3A_2 : i32
    %min3A = arith.constant 97 : i32
    %min3A_4 = arith.minsi %add3A_3, %min3A : i32
    %c0_i32 = arith.constant 0 : i32
    %c0_i32_5 = arith.constant 0 : i32
    return %add3A_0, %c0_i32, %min3A_4 : i32, i32, i32
  }
  func.func @transform_4(%arg0: i32, %arg1: i32) -> (i32, i32, i32) {
    %add3A = arith.constant 0 : i32
    %add3A_0 = arith.addi %arg0, %add3A : i32
    %mul3A = arith.constant 8 : i32
    %mul3A_1 = arith.muli %mul3A, %arg1 : i32
    %add3A_2 = arith.constant 4 : i32
    %add3A_3 = arith.addi %mul3A_1, %add3A_2 : i32
    %min3A = arith.constant 97 : i32
    %min3A_4 = arith.minsi %add3A_3, %min3A : i32
    %c0_i32 = arith.constant 0 : i32
    %c0_i32_5 = arith.constant 0 : i32
    return %add3A_0, %c0_i32, %min3A_4 : i32, i32, i32
  }
  func.func @transform_5(%arg0: i32, %arg1: i32) -> (i32, i32, i32) {
    %add3A = arith.constant 0 : i32
    %add3A_0 = arith.addi %arg0, %add3A : i32
    %mul3A = arith.constant 8 : i32
    %mul3A_1 = arith.muli %mul3A, %arg1 : i32
    %add3A_2 = arith.constant 5 : i32
    %add3A_3 = arith.addi %mul3A_1, %add3A_2 : i32
    %min3A = arith.constant 97 : i32
    %min3A_4 = arith.minsi %add3A_3, %min3A : i32
    %c0_i32 = arith.constant 0 : i32
    %c0_i32_5 = arith.constant 0 : i32
    return %add3A_0, %c0_i32, %min3A_4 : i32, i32, i32
  }
  func.func @transform_6(%arg0: i32, %arg1: i32) -> (i32, i32, i32) {
    %add3A = arith.constant 0 : i32
    %add3A_0 = arith.addi %arg0, %add3A : i32
    %mul3A = arith.constant 8 : i32
    %mul3A_1 = arith.muli %mul3A, %arg1 : i32
    %add3A_2 = arith.constant 6 : i32
    %add3A_3 = arith.addi %mul3A_1, %add3A_2 : i32
    %min3A = arith.constant 97 : i32
    %min3A_4 = arith.minsi %add3A_3, %min3A : i32
    %c0_i32 = arith.constant 0 : i32
    %c0_i32_5 = arith.constant 0 : i32
    return %add3A_0, %c0_i32, %min3A_4 : i32, i32, i32
  }
  func.func @transform_7(%arg0: i32, %arg1: i32) -> (i32, i32, i32) {
    %add3A = arith.constant 0 : i32
    %add3A_0 = arith.addi %arg0, %add3A : i32
    %mul3A = arith.constant 8 : i32
    %mul3A_1 = arith.muli %mul3A, %arg1 : i32
    %add3A_2 = arith.constant 7 : i32
    %add3A_3 = arith.addi %mul3A_1, %add3A_2 : i32
    %min3A = arith.constant 97 : i32
    %min3A_4 = arith.minsi %add3A_3, %min3A : i32
    %c0_i32 = arith.constant 0 : i32
    %c0_i32_5 = arith.constant 0 : i32
    return %add3A_0, %c0_i32, %min3A_4 : i32, i32, i32
  }
  func.func @transform_8(%arg0: i32, %arg1: i32) -> (i32, i32) {
    %mul3A = arith.constant 13 : i32
    %mul3A_0 = arith.muli %arg0, %mul3A : i32
    %add3A = arith.addi %mul3A_0, %arg1 : i32
    %c0_i32 = arith.constant 0 : i32
    %c0_i32_1 = arith.constant 0 : i32
    return %add3A, %c0_i32 : i32, i32
  }
}

module attributes {stable_mosaic.version = 14 : i64} {
  func.func @body(%arg0: i32, %arg1: memref<1024x416xf32, #tpu.memory_space<vmem>>, %arg2: memref<1024x128xf32, #tpu.memory_space<vmem>>, %arg3: memref<416x256xbf16, #tpu.memory_space<vmem>>, %arg4: memref<416x256xbf16, #tpu.memory_space<vmem>>, %arg5: memref<128x256xf32, #tpu.memory_space<vmem>>, %arg6: memref<1x256xf32, #tpu.memory_space<vmem>>, %arg7: memref<256x128xf32, #tpu.memory_space<vmem>>, %arg8: memref<1x128xf32, #tpu.memory_space<vmem>>, %arg9: memref<128x64xf32, #tpu.memory_space<vmem>>, %arg10: memref<1x64xf32, #tpu.memory_space<vmem>>, %arg11: memref<1024x64xf32, #tpu.memory_space<vmem>>) attributes {dimension_semantics = [#tpu.dimension_semantics<arbitrary>], iteration_bounds = array<i64: 16>, scalar_prefetch = 0 : i64, scratch_operands = 0 : i64, tpu.core_type = #tpu.core_type<tc>, window_params = [{transform_indices = @transform_0, window_bounds = array<i64: 1024, 416>}, {transform_indices = @transform_1, window_bounds = array<i64: 1024, 128>}, {pipeline_mode = #tpu.pipeline_mode<synchronous>, transform_indices = @transform_2, window_bounds = array<i64: 416, 256>}, {pipeline_mode = #tpu.pipeline_mode<synchronous>, transform_indices = @transform_3, window_bounds = array<i64: 416, 256>}, {pipeline_mode = #tpu.pipeline_mode<synchronous>, transform_indices = @transform_4, window_bounds = array<i64: 128, 256>}, {pipeline_mode = #tpu.pipeline_mode<synchronous>, transform_indices = @transform_5, window_bounds = array<i64: 1, 256>}, {pipeline_mode = #tpu.pipeline_mode<synchronous>, transform_indices = @transform_6, window_bounds = array<i64: 256, 128>}, {pipeline_mode = #tpu.pipeline_mode<synchronous>, transform_indices = @transform_7, window_bounds = array<i64: 1, 128>}, {pipeline_mode = #tpu.pipeline_mode<synchronous>, transform_indices = @transform_8, window_bounds = array<i64: 128, 64>}, {pipeline_mode = #tpu.pipeline_mode<synchronous>, transform_indices = @transform_9, window_bounds = array<i64: 1, 64>}, {transform_indices = @transform_10, window_bounds = array<i64: 1024, 64>}]} {
    %get3A = arith.constant 0 : index
    %get3A_0 = arith.constant 0 : index
    %get3A_1 = vector.load %arg2[%get3A, %get3A_0] : memref<1024x128xf32, #tpu.memory_space<vmem>>, vector<1024x128xf32>
    %get3A_2 = arith.constant 0 : index
    %get3A_3 = arith.constant 0 : index
    %get3A_4 = vector.load %arg5[%get3A_2, %get3A_3] : memref<128x256xf32, #tpu.memory_space<vmem>>, vector<128x256xf32>
    %dot_general3A = arith.constant dense<0.000000e+00> : vector<1024x256xf32>
    %dot_general3A_5 = tpu.matmul %get3A_1, %get3A_4, %dot_general3A {dimension_numbers = #tpu.dot_dimension_numbers<[1], [0], [0], [1], [0, 0, 1, 1], [], []>, transpose_lhs_hint = false} : vector<1024x128xf32>, vector<128x256xf32>, vector<1024x256xf32> -> vector<1024x256xf32>
    %get3A_6 = arith.constant 0 : index
    %get3A_7 = arith.constant 0 : index
    %get3A_8 = vector.load %arg1[%get3A_6, %get3A_7] : memref<1024x416xf32, #tpu.memory_space<vmem>>, vector<1024x416xf32>
    %bitcast3A = tpu.bitcast %get3A_8 : vector<1024x416xf32> -> vector<2048x416xbf16>
    %reshape3A = vector.shape_cast %bitcast3A : vector<2048x416xbf16> to vector<1024x2x416xbf16>
    %slice3A = vector.extract_strided_slice %reshape3A {offsets = [0, 0, 0], sizes = [1024, 1, 416], strides = [1, 1, 1]} : vector<1024x2x416xbf16> to vector<1024x1x416xbf16>
    %squeeze3A = vector.shape_cast %slice3A : vector<1024x1x416xbf16> to vector<1024x416xbf16>
    %get3A_9 = arith.constant 0 : index
    %get3A_10 = arith.constant 0 : index
    %get3A_11 = vector.load %arg3[%get3A_9, %get3A_10] : memref<416x256xbf16, #tpu.memory_space<vmem>>, vector<416x256xbf16>
    %dot_general3A_12 = arith.constant dense<0.000000e+00> : vector<1024x256xf32>
    %dot_general3A_13 = tpu.matmul %squeeze3A, %get3A_11, %dot_general3A_12 {dimension_numbers = #tpu.dot_dimension_numbers<[1], [0], [0], [1], [0, 0, 1, 1], [], []>, transpose_lhs_hint = false} : vector<1024x416xbf16>, vector<416x256xbf16>, vector<1024x256xf32> -> vector<1024x256xf32>
    %add3A = arith.addf %dot_general3A_5, %dot_general3A_13 : vector<1024x256xf32>
    %slice3A_14 = vector.extract_strided_slice %reshape3A {offsets = [0, 1, 0], sizes = [1024, 1, 416], strides = [1, 1, 1]} : vector<1024x2x416xbf16> to vector<1024x1x416xbf16>
    %squeeze3A_15 = vector.shape_cast %slice3A_14 : vector<1024x1x416xbf16> to vector<1024x416xbf16>
    %get3A_16 = arith.constant 0 : index
    %get3A_17 = arith.constant 0 : index
    %get3A_18 = vector.load %arg4[%get3A_16, %get3A_17] : memref<416x256xbf16, #tpu.memory_space<vmem>>, vector<416x256xbf16>
    %dot_general3A_19 = arith.constant dense<0.000000e+00> : vector<1024x256xf32>
    %dot_general3A_20 = tpu.matmul %squeeze3A_15, %get3A_18, %dot_general3A_19 {dimension_numbers = #tpu.dot_dimension_numbers<[1], [0], [0], [1], [0, 0, 1, 1], [], []>, transpose_lhs_hint = false} : vector<1024x416xbf16>, vector<416x256xbf16>, vector<1024x256xf32> -> vector<1024x256xf32>
    %add3A_21 = arith.addf %add3A, %dot_general3A_20 : vector<1024x256xf32>
    %get3A_22 = arith.constant 0 : index
    %get3A_23 = arith.constant 0 : index
    %get3A_24 = vector.load %arg6[%get3A_22, %get3A_23] : memref<1x256xf32, #tpu.memory_space<vmem>>, vector<1x256xf32>
    %add3A_25 = vector.broadcast %get3A_24 : vector<1x256xf32> to vector<1024x256xf32>
    %add3A_26 = arith.addf %add3A_21, %add3A_25 : vector<1024x256xf32>
    %max3A = arith.constant 0.000000e+00 : f32
    %max3A_27 = vector.broadcast %max3A : f32 to vector<1024x256xf32>
    %max3A_28 = arith.maximumf %add3A_26, %max3A_27 : vector<1024x256xf32>
    %get3A_29 = arith.constant 0 : index
    %get3A_30 = arith.constant 0 : index
    %get3A_31 = vector.load %arg7[%get3A_29, %get3A_30] : memref<256x128xf32, #tpu.memory_space<vmem>>, vector<256x128xf32>
    %dot_general3A_32 = arith.constant dense<0.000000e+00> : vector<1024x128xf32>
    %dot_general3A_33 = tpu.matmul %max3A_28, %get3A_31, %dot_general3A_32 {dimension_numbers = #tpu.dot_dimension_numbers<[1], [0], [0], [1], [0, 0, 1, 1], [], []>, transpose_lhs_hint = false} : vector<1024x256xf32>, vector<256x128xf32>, vector<1024x128xf32> -> vector<1024x128xf32>
    %get3A_34 = arith.constant 0 : index
    %get3A_35 = arith.constant 0 : index
    %get3A_36 = vector.load %arg8[%get3A_34, %get3A_35] : memref<1x128xf32, #tpu.memory_space<vmem>>, vector<1x128xf32>
    %add3A_37 = vector.broadcast %get3A_36 : vector<1x128xf32> to vector<1024x128xf32>
    %add3A_38 = arith.addf %dot_general3A_33, %add3A_37 : vector<1024x128xf32>
    %max3A_39 = arith.constant 0.000000e+00 : f32
    %max3A_40 = vector.broadcast %max3A_39 : f32 to vector<1024x128xf32>
    %max3A_41 = arith.maximumf %add3A_38, %max3A_40 : vector<1024x128xf32>
    %get3A_42 = arith.constant 0 : index
    %get3A_43 = arith.constant 0 : index
    %get3A_44 = vector.load %arg9[%get3A_42, %get3A_43] : memref<128x64xf32, #tpu.memory_space<vmem>>, vector<128x64xf32>
    %dot_general3A_45 = arith.constant dense<0.000000e+00> : vector<1024x64xf32>
    %dot_general3A_46 = tpu.matmul %max3A_41, %get3A_44, %dot_general3A_45 {dimension_numbers = #tpu.dot_dimension_numbers<[1], [0], [0], [1], [0, 0, 1, 1], [], []>, transpose_lhs_hint = false} : vector<1024x128xf32>, vector<128x64xf32>, vector<1024x64xf32> -> vector<1024x64xf32>
    %get3A_47 = arith.constant 0 : index
    %get3A_48 = arith.constant 0 : index
    %get3A_49 = vector.load %arg10[%get3A_47, %get3A_48] : memref<1x64xf32, #tpu.memory_space<vmem>>, vector<1x64xf32>
    %add3A_50 = vector.broadcast %get3A_49 : vector<1x64xf32> to vector<1024x64xf32>
    %add3A_51 = arith.addf %dot_general3A_46, %add3A_50 : vector<1024x64xf32>
    %max3A_52 = arith.constant 0.000000e+00 : f32
    %max3A_53 = vector.broadcast %max3A_52 : f32 to vector<1024x64xf32>
    %max3A_54 = arith.maximumf %add3A_51, %max3A_53 : vector<1024x64xf32>
    %swap3A = arith.constant 0 : index
    %swap3A_55 = arith.constant 0 : index
    %swap3A_56 = vector.load %arg11[%swap3A, %swap3A_55] : memref<1024x64xf32, #tpu.memory_space<vmem>>, vector<1024x64xf32>
    tpu.vector_store %arg11[%swap3A, %swap3A_55], %max3A_54 {strides = array<i32>} : memref<1024x64xf32, #tpu.memory_space<vmem>>, vector<1024x64xf32>,
    return
  }
  func.func @transform_0(%arg0: i32) -> (i32, i32) {
    %c0_i32 = arith.constant 0 : i32
    %c0_i32_0 = arith.constant 0 : i32
    return %arg0, %c0_i32 : i32, i32
  }
  func.func @transform_1(%arg0: i32) -> (i32, i32) {
    %c0_i32 = arith.constant 0 : i32
    %c0_i32_0 = arith.constant 0 : i32
    return %arg0, %c0_i32 : i32, i32
  }
  func.func @transform_2(%arg0: i32) -> (i32, i32) {
    %c0_i32 = arith.constant 0 : i32
    %c0_i32_0 = arith.constant 0 : i32
    %c0_i32_1 = arith.constant 0 : i32
    return %c0_i32, %c0_i32_0 : i32, i32
  }
  func.func @transform_3(%arg0: i32) -> (i32, i32) {
    %c0_i32 = arith.constant 0 : i32
    %c0_i32_0 = arith.constant 0 : i32
    %c0_i32_1 = arith.constant 0 : i32
    return %c0_i32, %c0_i32_0 : i32, i32
  }
  func.func @transform_4(%arg0: i32) -> (i32, i32) {
    %c0_i32 = arith.constant 0 : i32
    %c0_i32_0 = arith.constant 0 : i32
    %c0_i32_1 = arith.constant 0 : i32
    return %c0_i32, %c0_i32_0 : i32, i32
  }
  func.func @transform_5(%arg0: i32) -> (i32, i32) {
    %c0_i32 = arith.constant 0 : i32
    %c0_i32_0 = arith.constant 0 : i32
    %c0_i32_1 = arith.constant 0 : i32
    return %c0_i32, %c0_i32_0 : i32, i32
  }
  func.func @transform_6(%arg0: i32) -> (i32, i32) {
    %c0_i32 = arith.constant 0 : i32
    %c0_i32_0 = arith.constant 0 : i32
    %c0_i32_1 = arith.constant 0 : i32
    return %c0_i32, %c0_i32_0 : i32, i32
  }
  func.func @transform_7(%arg0: i32) -> (i32, i32) {
    %c0_i32 = arith.constant 0 : i32
    %c0_i32_0 = arith.constant 0 : i32
    %c0_i32_1 = arith.constant 0 : i32
    return %c0_i32, %c0_i32_0 : i32, i32
  }
  func.func @transform_8(%arg0: i32) -> (i32, i32) {
    %c0_i32 = arith.constant 0 : i32
    %c0_i32_0 = arith.constant 0 : i32
    %c0_i32_1 = arith.constant 0 : i32
    return %c0_i32, %c0_i32_0 : i32, i32
  }
  func.func @transform_9(%arg0: i32) -> (i32, i32) {
    %c0_i32 = arith.constant 0 : i32
    %c0_i32_0 = arith.constant 0 : i32
    %c0_i32_1 = arith.constant 0 : i32
    return %c0_i32, %c0_i32_0 : i32, i32
  }
  func.func @transform_10(%arg0: i32) -> (i32, i32) {
    %c0_i32 = arith.constant 0 : i32
    %c0_i32_0 = arith.constant 0 : i32
    return %arg0, %c0_i32 : i32, i32
  }
}

</mosaic_0001>

<sc_bundles>
// kernel: sc_embed_gather0.3.cloned.1.call-start
scs
__scs_entry_jumppad:
0x0: {  	(pc) =	sbr.rel $0x88, $3  }
0x1: {  	(tag) =	ssettag $0x0;
	lr =	simm.s32 $0x1  }
0x2: {  	[smem:$0x3F98] =	sst lr;
	_ =	strace $0xD0000000  }
0x3: {  	_ = 	snop  }
0x4: {  	_ = 	snop  }
0x5: {  	_ = 	snop  }
0x6: {  	_ = 	snop  }
0x7: {  	_ = 	snop  }
__scs_overlays_trampoline_lowered:
0x8: {  	[smem:$0x3FA7] =	sst s0  }
0x9: {  	[smem:$0x3FA8] =	sst s1  }
0xa: {  	[smem:$0x3FA9] =	sst s2  }
0xb: {  	[smem:$0x3FAA] =	sst s3  }
0xc: {  	[smem:$0x3FAB] =	sst s4  }
0xd: {  	[smem:$0x3FAC] =	sst s5  }
0xe: {  	[smem:$0x3FAD] =	sst s6  }
0xf: {  	[smem:$0x3FAE] =	sst s7  }
0x10: {  	[smem:$0x3FAF] =	sst s8  }
0x11: {  	[smem:$0x3FB0] =	sst s9;
	s0 =	simm.s32 @!p0 $0x0  }
0x12: {  	s1 =	sld [smem:$0x3F96];
	s0 =	simm.s32 @p0 $0x1  }
0x13: {  	[smem:$0x3FB1] =	sst s0;
	s0 =	simm.s32 @!p1 $0x0  }
0x14: {  	s2 =	sld [smem:$0x3F95];
	s0 =	simm.s32 @p1 $0x1  }
0x15: {  	[smem:$0x3FB2] =	sst s0;
	s0 =	simm.s32 @!p2 $0x0  }
0x16: {  	s3 =	sld [smem:$0x3FDB];
	s0 =	simm.s32 @p2 $0x1  }
0x17: {  	s4 =	simm.s32 $0x1BF5;
	[smem:$0x3FB4] =	sst s0  }
0x18: {  	s0 =	sld [smem:$0x3F97];
	_ =	swait.ge [sflag:s4], $0x0  }
0x19: {  	s7 =	sld [smem:$0x3F98]  }
0x1a: {  	s8 =	sadd.s32 $0xFFFFE003, lr  }
0x1b: {  	s9 =	sadd.s32 $0xFFFFFEF7, lr;
	s5 =	simm.s32 $0xFFFFFFFF;
	p2 =	slt.u32 s8, $0xFFFFF086  }
0x1c: {  	p1 =	slt.u32 s9, $0xF7A;
	s5 =	simm.s32 @!p2 $0x0  }
0x1d: {  	s5 =	simm.s32 @p1 $0x1;
	p0 =	seq.s32 s7, s2  }
0x1e: {  	s7 =	smul.u32 @!p0 $0xF7A, s2;
	p2 =	seq.s32 @!p0 s5, $0x0  }
0x1f: {  	s9 =	smul.u32 $0xF7A, s1;
	s8 =	simm.s32 @!p0 $0x1BF5;
	p2 =	por !p2, p0  }
0x20: {  	[sflag:s8] =	ssyncset.s32 @!p0 $0xFFFFF086;
	s6 =	sadd.s32 @!p0 s3, s7;
	s7 =	simm.s32 @!p0 $0x108  }
0x21: {  	s3 =	sadd.s32 s3, s9;
	s6 =	sadd.s32 @!p0 $0x88, s6;
	s7 =	simm.s32 @p2 $0x1082  }
0x22: {  	[simem:s7], [sflag:s8] =	dma.local @!p0 [hbm:s6], $0xF7A  }
0x23: {  	s9 =	sor.u32 $0xD0000000, s2;
	s6 =	simm.s32 $0x108;
	_ =	swait.ge @!p0 [sflag:s8], $0x0  }
0x24: {  	s3 =	sadd.s32 $0x88, s3;
	s6 =	simm.s32 @!p1 $0x1082;
	[sflag:s4] =	ssyncset.s32 $0xFFFFF086  }
0x25: {  	[simem:s6], [sflag:s4] =	dma.local [hbm:s3], $0xF7A  }
0x26: {  	[smem:$0x3F98] =	sst s1;
	(tag) =	ssettag s2;
	_ =	strace s9  }
0x27: {  	s1 =	sld [smem:$0x3FA8]  }
0x28: {  	s2 =	sld [smem:$0x3FA9]  }
0x29: {  	s4 =	sld [smem:$0x3FAB]  }
0x2a: {  	p0 =	seq.s32 s5, $0x0;
	s5 =	sld [smem:$0x3FAC]  }
0x2b: {  	s6 =	sld [smem:$0x3FAD]  }
0x2c: {  	s7 =	sld [smem:$0x3FAE]  }
0x2d: {  	s3 =	simm.s32 $0x108;
	s8 =	sld [smem:$0x3FAF]  }
0x2e: {  	s3 =	simm.s32 @!p0 $0x1082;
	s9 =	sld [smem:$0x3FB0]  }
0x2f: {  	lr =	sadd.s32 s0, s3;
	s0 =	sld [smem:$0x3FA7]  }
0x30: {  	s3 =	sld [smem:$0x3FAA]  }
0x31: {  	[smem:$0x3FB3] =	sst s10  }
0x32: {  	s10 =	sld [smem:$0x3FB1];
	_ =	sdelay $0x3  }
0x33: {  	p0 =	seq.s32 s10, $0x1;
	s10 =	sld [smem:$0x3FB3];
	_ =	sdelay $0x3  }
0x34: {  	[smem:$0x3FB3] =	sst s10  }
0x35: {  	s10 =	sld [smem:$0x3FB2];
	_ =	sdelay $0x3  }
0x36: {  	p1 =	seq.s32 s10, $0x1;
	s10 =	sld [smem:$0x3FB3];
	_ =	sdelay $0x3  }
0x37: {  	[smem:$0x3FB3] =	sst s10  }
0x38: {  	s10 =	sld [smem:$0x3FB4]  }
0x39: {  	_ = 	snop;
	(pc) =	sbr.ind lr, $3  }
0x3a: {  	_ = 	snop  }
0x3b: {  	_ = 	snop  }
0x3c: {  	p2 =	seq.s32 s10, $0x1;
	s10 =	sld [smem:$0x3FB3]  }
0x3d: {  	_ =	shalt  }
0x3e: {  	_ =	shalt  }
0x3f: {  	_ =	shalt  }
0x40: {  	_ =	shalt  }
0x41: {  	_ =	shalt  }
0x42: {  	_ =	shalt  }
0x43: {  	_ =	shalt  }
0x44: {  	_ =	shalt  }
0x45: {  	_ =	shalt  }
0x46: {  	_ =	shalt  }
0x47: {  	_ =	shalt  }
0x48: {  	_ =	shalt  }
0x49: {  	_ =	shalt  }
0x4a: {  	_ =	shalt  }
0x4b: {  	_ =	shalt  }
0x4c: {  	_ =	shalt  }
0x4d: {  	_ =	shalt  }
0x4e: {  	_ =	shalt  }
0x4f: {  	_ =	shalt  }
0x50: {  	_ =	shalt  }
0x51: {  	_ =	shalt  }
0x52: {  	_ =	shalt  }
0x53: {  	_ =	shalt  }
0x54: {  	_ =	shalt  }
0x55: {  	_ =	shalt  }
0x56: {  	_ =	shalt  }
0x57: {  	_ =	shalt  }
0x58: {  	_ =	shalt  }
0x59: {  	_ =	shalt  }
0x5a: {  	_ =	shalt  }
0x5b: {  	_ =	shalt  }
0x5c: {  	_ =	shalt  }
0x5d: {  	_ =	shalt  }
0x5e: {  	_ =	shalt  }
0x5f: {  	_ =	shalt  }
0x60: {  	_ =	shalt  }
0x61: {  	_ =	shalt  }
0x62: {  	_ =	shalt  }
0x63: {  	_ =	shalt  }
0x64: {  	_ =	shalt  }
0x65: {  	_ =	shalt  }
0x66: {  	_ =	shalt  }
0x67: {  	_ =	shalt  }
0x68: {  	_ =	shalt  }
0x69: {  	_ =	shalt  }
0x6a: {  	_ =	shalt  }
0x6b: {  	_ =	shalt  }
0x6c: {  	_ =	shalt  }
0x6d: {  	_ =	shalt  }
0x6e: {  	_ =	shalt  }
0x6f: {  	_ =	shalt  }
0x70: {  	_ =	shalt  }
0x71: {  	_ =	shalt  }
0x72: {  	_ =	shalt  }
0x73: {  	_ =	shalt  }
0x74: {  	_ =	shalt  }
0x75: {  	_ =	shalt  }
0x76: {  	_ =	shalt  }
0x77: {  	_ =	shalt  }
0x78: {  	_ =	shalt  }
0x79: {  	_ =	shalt  }
0x7a: {  	_ =	shalt  }
0x7b: {  	_ =	shalt  }
0x7c: {  	_ =	shalt  }
0x7d: {  	_ =	shalt  }
0x7e: {  	_ =	shalt  }
0x7f: {  	_ =	shalt  }
0x80: {  	_ =	shalt  }
0x81: {  	_ =	shalt  }
0x82: {  	_ =	shalt  }
0x83: {  	_ =	shalt  }
0x84: {  	_ =	shalt  }
0x85: {  	_ =	shalt  }
0x86: {  	_ =	shalt  }
0x87: {  	_ =	shalt  }
.Lfunc_end0:
.L_simem_size_0:
called_computation_lowered:
.L_overlay_start_0:
0x88: {  	s2 =	sld [smem:$0x3FD9]  }
0x89: {  	s3 =	sld [smem:$0x3FFE];
	_ =	sdelay $0x1  }
0x8a: {  	s1 =	srdreg.scid  }
0x8b: {  	s0 =	sand.u32 $0x1, s1  }
0x8c: {  	s17 =	sshll.u32 s0, $0xA;
	s2 =	sadd.s32 s3, s2  }
0x8d: {  	s2 =	sadd.s32 s2, s17  }
0x8e: {  	[smem:$0x3FBF] =	sst s2  }
0x8f: {  	_ = 	snop  }
0x90: {  	s2 =	sld [smem:$0x3FD0];
	(tm) =	ssettm $0x1  }
0x91: {  	s18 =	sld [smem:$0x3FFB];
	_ =	sdelay $0x3  }
0x92: {  	_ =	strace s18  }
0x93: {  	s3 =	sld [smem:$0x3FFC];
	_ =	sdelay $0x3  }
0x94: {  	_ =	strace s3  }
0x95: {  	s3 =	sld [smem:$0x3FFD];
	_ =	sdelay $0x3  }
0x96: {  	_ =	strace s3  }
0x97: {  	_ =	strace $0x8FFFFFFF  }
0x98: {  	s19 =	sld [smem:$0x3FDB];
	_ =	sdelay $0x1  }
0x99: {  	s4 =	simm.s32 $_scs_section_size  }
0x9a: {  	s5 =	simm.s32 $_size__tile_overlayer_lowered;
	s6 =	simm.s32 $_tile_overlayer_lowered  }
0x9b: {  	s22 =	simm.s32 $0x1BFF;
	s21 =	sshll.u32 s6, $0x1;
	s3 =	sadd.s32 s4, s19  }
0x9c: {  	s7 =	simm.s32 $0x0;
	s20 =	sshll.u32 s5, $0x1;
	s5 =	sadd.s32 s21, s3  }
0x9d: {  	[timem:s7], [sflag:s22] =	dma.local [hbm:s5], s20  }
0x9e: {  	_ =	swait.ge [sflag:s22], s20  }
0x9f: {  	s4 =	ssub.s32 $0x0, s20;
	[sflag:s22] =	ssyncset.done $0x0  }
0xa0: {  	[sflag:s22] =	ssyncadd.s32 s4;
	_ =	sdelay $0x1  }
0xa1: {  	s23 =	simm.s32 $0x1B8B  }
0xa2: {  	_ =	swait.ge [sflag:s23], $0x1  }
0xa3: {  	[sflag:s23] =	ssyncset.done $0x0  }
0xa4: {  	s25 =	simm.s32 $0x1B8E;
	s24 =	sld [smem:$0x3FFE];
	[sflag:s23] =	ssyncadd.s32 $0xFFFFFFFF  }
0xa5: {  	s26 =	simm.s32 $execute0_lowered;
	[smem:$0x3FD2] =	sst s25  }
0xa6: {  	s5 =	sshll.u32 s26, $0x1;
	_ =	strace $0x80000046;
	[dreg:$0x1] =	wrdreg $0xFFFFFFFF  }
0xa7: {  	s28 =	simm.s32 $_size_execute0_lowered;
	s3 =	sadd.s32 s3, s5;
	[dreg:$0x0] =	wrdreg $0x0  }
0xa8: {  	s5 =	sshll.u32 s28, $0x1;
	[dreg:$0x2] =	wrdreg s3  }
0xa9: {  	[dreg:$0x3] =	wrdreg s5  }
0xaa: {  	[dreg:$0x4] =	wrdreg $0xC0  }
0xab: {  	_ =	task [dreg:s7], $0x5FFFF  }
0xac: {  	[dreg:$0x1] =	wrdreg $0xFFFFFFFF  }
0xad: {  	[dreg:$0x0] =	wrdreg $0x60  }
0xae: {  	[dreg:$0x2] =	wrdreg s2  }
0xaf: {  	[dreg:$0x3] =	wrdreg s24  }
0xb0: {  	[dreg:$0x4] =	wrdreg $0x9  }
0xb1: {  	_ =	task.clear_ibuf [dreg:s7], $0x5FFFF;
	_ =	strace $0x90000046  }
0xb2: {  	s29 =	simm.s32 $0x9;
	_ =	strace $0x80000048  }
0xb3: {  	_ =	swait.ge [sflag:s29], $0x1  }
0xb4: {  	[sflag:s29] =	ssyncadd.s32 $0xFFFFFFFF  }
0xb5: {  	_ =	strace $0x90000048  }
0xb6: {  	_ =	sfence  }
0xb7: {  	s30 =	sld [smem:$0x0];
	_ =	sdelay $0x2  }
0xb8: {  	s31 =	sshll.u32 s1, $0xD;
	s1 =	sshrl.u32 s1, $0x2  }
0xb9: {  	s3 =	sand.u32 $0x4000, s31;
	s1 =	sadd.s32 s1, s30  }
0xba: {  	s0 =	sor.u32 s3, s0;
	s1 =	sshll.u32 s1, $0x11  }
0xbb: {  	s0 =	sor.u32 s1, s0  }
0xbc: {  	s0 =	sadd.s32 $0x8F2B, s0  }
0xbd: {  	[sflag:s0] =	ssyncadd.remote.s32 $0x1  }
0xbe: {  	_ =	sfence.sel $0xFFFF  }
0xbf: {  	[dreg:$0x0] =	wrdreg $0xFFFFFFFF;
	(pc) =	sbr.abs _section_cstart, $3  }
0xc0: {  	[dreg:$0x1] =	wrdreg $0xFFFFFFFF  }
0xc1: {  	_ =	task.clear_ibuf [dreg:s7], $0x2FFFF;
	_ =	strace $0x9FFFFFFF  }
0xc2: {  	(tm) =	ssettm $0x7FFFFFFF  }
0xc3: {  	_ =	shalt  }
tec
execute0_lowered:
.L_overlay_start_1:
0x0: {  	(tag) =	ssettag $0x1  }
0x1: {  	s0 =	rddreg [dreg:$0x0];
	s1 =	srdreg.scid  }
0x2: {  	s11 =	stileid.u32;
	s4 =	rddreg [dreg:$0x1];
	s2 =	simm.s32 $0x0  }
0x3: {  	s12 =	simm.s32 $0x3400;
	s13 =	simm.s32 $0x3C00;
	s15 =	simm.s32 $0x4400  }
0x4: {  	s21 =	simm.s32 $0x7C00;
	s22 =	simm.s32 $0x8400;
	s23 =	simm.s32 $0x8C00  }
0x5: {  	s24 =	simm.s32 $0x9400;
	s25 =	simm.s32 $0x9C00;
	s26 =	simm.s32 $0xA400  }
0x6: {  	s31 =	simm.s32 $0xAC00;
	s28 =	simm.s32 $0x1;
	s29 =	simm.s32 $0x2  }
0x7: {  	s30 =	simm.s32 $0x0;
	s1 =	sand.u32 $0x1, s1;
	[smem:$0x7FF] =	sst s2  }
0x8: {  	s3 =	sshll.u32 s11, $0x1;
	_ =	strace $0x80000047;
	[dreg:$0x3] =	wrdreg s21  }
0x9: {  	s9 =	smul.u32 $0x68000, s11;
	s10 =	sadd.s32 $0x549800, s4;
	[dreg:$0x4] =	wrdreg s22  }
0xa: {  	s18 =	smul.u32 $0x6800, s11;
	s11 =	simm.s32 $0x80;
	[dreg:$0x5] =	wrdreg s23  }
0xb: {  	s3 =	sor.u32 s1, s3;
	s16 =	smul.u32 $0x34000, s1;
	[dreg:$0x6] =	wrdreg s24  }
0xc: {  	s6 =	ssub.s32 $0x2, s1;
	s1 =	smul.u32 $0x3400, s1;
	[dreg:$0x7] =	wrdreg s25  }
0xd: {  	s21 =	simm.s32 $0x5C00;
	s23 =	simm.s32 $0x6400;
	[dreg:$0x8] =	wrdreg s26  }
0xe: {  	s24 =	simm.s32 $0x380;
	[dreg:$0x9] =	wrdreg s31;
	s5 =	smul.u32 $0x680, s3  }
0xf: {  	s25 =	simm.s32 $0x6C00;
	s7 =	smul.u32 $0x34000, s3;
	s8 =	sshrl.u32 s6, $0x1  }
0x10: {  	s26 =	simm.s32 $0x7400;
	s3 =	sadd.s32 $0x1800, s4;
	s6 =	ssub.s32 s6, s8  }
0x11: {  	s8 =	sadd.s32 s16, s9;
	s4 =	sadd.s32 s0, s5;
	s17 =	sshrl.u32 s7, $0x3  }
0x12: {  	s6 =	smax.u32 s6, $0x1;
	s19 =	sadd.s32 $0x4000, s8;
	s20 =	sshrl.u32 s8, $0x3  }
0x13: {  	s7 =	sadd.s32 s1, s18;
	s0 =	sadd.s32 s10, s17;
	s8 =	sadd.s32 s20, s10  }
0x14: {  	s17 =	simm.s32 $0x4C00;
	s5 =	sadd.s32 $0x6000, s0;
	s0 =	sshrl.u32 s19, $0x3  }
0x15: {  	v0 =	vlaneseq.u32;
	s19 =	simm.s32 $0x5400;
	s9 =	sadd.s32 s0, s10;
	s10 =	simm.s32 $0x3  }
.LBB2_1:
0x16: {  	s0 =	sadd.s32 $0x0, s7  }
0x17: {  	v2 =	vor.u32 s0, v0;
	s1 =	sadd.s32 $0x10, s0  }
0x18: {  	s14 =	sadd.s32 $0x20, s0;
	v1 =	vmulhi.u32 $0x4EC4EC4F, v2;
	v3 =	vor.u32 s1, v0  }
0x19: {  	s16 =	sadd.s32 $0x40, s0;
	v5 =	vor.u32 s14, v0;
	v4 =	vmulhi.u32 $0x4EC4EC4F, v3  }
0x1a: {  	s18 =	sadd.s32 $0x50, s0;
	v7 =	vor.u32 s16, v0;
	v6 =	vmulhi.u32 $0x4EC4EC4F, v5  }
0x1b: {  	s20 =	sadd.s32 $0x60, s0;
	v9 =	vor.u32 s18, v0;
	v8 =	vmulhi.u32 $0x4EC4EC4F, v7  }
0x1c: {  	s22 =	sadd.s32 $0x70, s0;
	v11 =	vor.u32 s20, v0;
	v10 =	vmulhi.u32 $0x4EC4EC4F, v9  }
0x1d: {  	[tilespmem:s2], [sflag:$0x3] =	stream.linear.gather [hbm4b:s4+s2], $0x3400, $0x38;
	v14 =	vor.u32 s22, v0;
	v13 =	vmulhi.u32 $0x4EC4EC4F, v11;
	v12 =	vshrl.u32 v1, $0x3;
	[tilespmem:$0xB400] =	vst v63  }
0x1e: {  	v15 =	vmulhi.u32 $0x4EC4EC4F, v14;
	v12 =	vmul.u32 $0x1A, v12  }
0x1f: {  	_ =	swait.ge [sflag:s10], $0x3400;
	v4 =	vshrl.u32 v4, $0x3;
	v6 =	vshrl.u32 v6, $0x3;
	v8 =	vshrl.u32 v8, $0x3  }
0x20: {  	[sflag:s10] =	ssyncset.done $0x0;
	v10 =	vshrl.u32 v10, $0x3;
	v13 =	vshrl.u32 v13, $0x3;
	v15 =	vshrl.u32 v15, $0x3  }
0x21: {  	s31 =	simm.s32 $0x40;
	[sflag:s10] =	ssyncadd.s32 $0xFFFFCC00;
	v4 =	vmul.u32 $0x1A, v4;
	v6 =	vmul.u32 $0x1A, v6;
	v8 =	vmul.u32 $0x1A, v8  }
0x22: {  	v10 =	vmul.u32 $0x1A, v10;
	v13 =	vmul.u32 $0x1A, v13;
	v2 =	vsub.s32 v2, v12;
	v12 =	vld [tilespmem:s31+$0xFFFFFFC0]  }
0x23: {  	v2 =	vmul.u32 $0x1A000, v2;
	v3 =	vsub.s32 v3, v4;
	v4 =	vmul.u32 $0x1A, v15  }
0x24: {  	v5 =	vsub.s32 v5, v6;
	v6 =	vsub.s32 v7, v8;
	v8 =	vsub.s32 v9, v10  }
0x25: {  	v15 =	vld [tilespmem:s31+$0xFFFFFFD0];
	v10 =	vmul.u32 $0x1A000, v3;
	v3 =	vsub.s32 v11, v13;
	v9 =	vmul.u32 $0x1A000, v5  }
0x26: {  	v7 =	vmul.u32 $0x1A000, v6;
	v5 =	vmul.u32 $0x1A000, v8;
	v11 =	vsub.s32 v14, v4  }
0x27: {  	v4 =	vmul.u32 $0x1A000, v3;
	v6 =	vshll.u32 v12, $0x3;
	v8 =	vshrl.u32 v12, $0xA  }
0x28: {  	v3 =	vand.u32 $0xFFFFE000, v12;
	v6 =	vand.u32 $0x1FF8, v6;
	v8 =	vand.u32 $0x7, v8  }
0x29: {  	v13 =	vld [tilespmem:s31+$0xFFFFFFE0];
	v6 =	vor.u32 v6, v3;
	v2 =	vor.u32 v2, v8  }
0x2a: {  	v6 =	vadd.s32 v6, v2;
	v2 =	vshll.u32 v15, $0x3  }
0x2b: {  	v3 =	vmul.u32 $0x1A000, v11;
	v11 =	vand.u32 $0xFFFFE000, v15;
	v12 =	vand.u32 $0x1FF8, v2  }
0x2c: {  	v8 =	vshrl.u32 v15, $0xA;
	v12 =	vor.u32 v12, v11;
	v11 =	vld [tilespmem:s31+$0x0]  }
0x2d: {  	s0 =	sadd.s32 $0x30, s0;
	v8 =	vand.u32 $0x7, v8  }
0x2e: {  	v1 =	vor.u32 s0, v0;
	v8 =	vor.u32 v10, v8;
	v10 =	vshll.u32 v13, $0x3  }
0x2f: {  	v14 =	vand.u32 $0xFFFFE000, v13;
	v13 =	vshrl.u32 v13, $0xA;
	v15 =	vand.u32 $0x1FF8, v10;
	v10 =	vld [tilespmem:s31+$0x10]  }
0x30: {  	s0 =	simm.s32 $0x80;
	v2 =	vld [tilespmem:s31+$0xFFFFFFF0];
	v13 =	vand.u32 $0x7, v13;
	v8 =	vadd.s32 v12, v8;
	v12 =	vor.u32 v15, v14  }
.LBB2_2:
0x31: {  	p0 =	sne.s32 s0, $0x3380;
	v9 =	vor.u32 v9, v13;
	v13 =	vshll.u32 v11, $0x3;
	v14 =	vshrl.u32 v11, $0xA;
	v15 =	vld [tilespmem:s31+$0x20]  }
0x32: {  	v11 =	vand.u32 $0xFFFFE000, v11;
	v13 =	vand.u32 $0x1FF8, v13;
	v14 =	vand.u32 $0x7, v14  }
0x33: {  	v9 =	vadd.s32 v12, v9;
	v11 =	vor.u32 v13, v11;
	v7 =	vor.u32 v7, v14  }
0x34: {  	v7 =	vadd.s32 v11, v7;
	v11 =	vshll.u32 v10, $0x3;
	v12 =	vshrl.u32 v10, $0xA;
	v13 =	vld [tilespmem:s31+$0x30]  }
0x35: {  	v10 =	vand.u32 $0xFFFFE000, v10;
	v11 =	vand.u32 $0x1FF8, v11;
	v12 =	vand.u32 $0x7, v12  }
0x36: {  	v10 =	vor.u32 v11, v10;
	v5 =	vor.u32 v5, v12;
	v11 =	vshll.u32 v15, $0x3  }
0x37: {  	v12 =	vshrl.u32 v15, $0xA;
	[tilespmem:s31+$0xFFFFFFC0] =	vst v6;
	v6 =	vand.u32 $0xFFFFE000, v15;
	v11 =	vand.u32 $0x1FF8, v11  }
0x38: {  	v5 =	vadd.s32 v10, v5;
	[tilespmem:s31+$0xFFFFFFD0] =	vst v8;
	v6 =	vor.u32 v11, v6;
	v8 =	vand.u32 $0x7, v12  }
0x39: {  	[tilespmem:s31+$0xFFFFFFE0] =	vst v9;
	v4 =	vor.u32 v4, v8;
	v8 =	vshll.u32 v13, $0x3;
	v9 =	vshrl.u32 v13, $0xA  }
0x3a: {  	[tilespmem:s31+$0x0] =	vst v7;
	v7 =	vand.u32 $0xFFFFE000, v13;
	v8 =	vand.u32 $0x1FF8, v8;
	v9 =	vand.u32 $0x7, v9  }
0x3b: {  	v4 =	vadd.s32 v6, v4;
	[tilespmem:s31+$0x10] =	vst v5;
	v5 =	vor.u32 v8, v7;
	v3 =	vor.u32 v3, v9  }
0x3c: {  	v6 =	vmulhi.u32 $0x4EC4EC4F, v1;
	v7 =	vshll.u32 v2, $0x3;
	[tilespmem:s31+$0x20] =	vst v4;
	v3 =	vadd.s32 v5, v3  }
0x3d: {  	v4 =	vand.u32 $0xFFFFE000, v2;
	v5 =	vand.u32 $0x1FF8, v7;
	v2 =	vshrl.u32 v2, $0xA;
	[tilespmem:s31+$0x30] =	vst v3  }
0x3e: {  	s1 =	sadd.s32 s0, s7;
	v3 =	vshrl.u32 v6, $0x3;
	v4 =	vor.u32 v5, v4;
	v2 =	vand.u32 $0x7, v2  }
0x3f: {  	s14 =	sadd.s32 $0x10, s1;
	s16 =	sadd.s32 $0x30, s1;
	v5 =	vor.u32 s1, v0;
	v3 =	vmul.u32 $0x1A, v3  }
0x40: {  	v8 =	vor.u32 s16, v0;
	v7 =	vor.u32 s14, v0;
	s14 =	sadd.s32 $0x20, s1;
	v6 =	vmulhi.u32 $0x4EC4EC4F, v5  }
0x41: {  	v9 =	vmulhi.u32 $0x4EC4EC4F, v7;
	v10 =	vor.u32 s14, v0;
	s14 =	sadd.s32 $0x40, s1;
	v3 =	vsub.s32 v1, v3;
	v1 =	vmovc v8  }
0x42: {  	v11 =	vor.u32 s14, v0;
	s14 =	sadd.s32 $0x50, s1;
	v8 =	vmulhi.u32 $0x4EC4EC4F, v10;
	v3 =	vmul.u32 $0x1A000, v3  }
0x43: {  	v12 =	vmulhi.u32 $0x4EC4EC4F, v11;
	v13 =	vor.u32 s14, v0;
	s14 =	sadd.s32 $0x60, s1  }
0x44: {  	s1 =	sadd.s32 $0x70, s1;
	v14 =	vmulhi.u32 $0x4EC4EC4F, v13;
	v15 =	vor.u32 s14, v0;
	v2 =	vor.u32 v3, v2  }
0x45: {  	v16 =	vor.u32 s1, v0;
	v3 =	vshrl.u32 v6, $0x3;
	v6 =	vmulhi.u32 $0x4EC4EC4F, v15  }
0x46: {  	v17 =	vmulhi.u32 $0x4EC4EC4F, v16;
	v3 =	vmul.u32 $0x1A, v3;
	v2 =	vadd.s32 v4, v2  }
0x47: {  	v8 =	vshrl.u32 v8, $0x3;
	v4 =	vshrl.u32 v9, $0x3;
	v9 =	vshrl.u32 v12, $0x3;
	[tilespmem:s31+$0xFFFFFFF0] =	vst v2  }
0x48: {  	v12 =	vshrl.u32 v17, $0x3;
	v6 =	vshrl.u32 v6, $0x3;
	v2 =	vshrl.u32 v14, $0x3  }
0x49: {  	v8 =	vmul.u32 $0x1A, v8;
	v4 =	vmul.u32 $0x1A, v4;
	v9 =	vmul.u32 $0x1A, v9;
	s31 =	sadd.s32 $0x80, s31  }
0x4a: {  	v3 =	vsub.s32 v5, v3;
	v6 =	vmul.u32 $0x1A, v6;
	v5 =	vmul.u32 $0x1A, v2;
	v14 =	vld [tilespmem:s31+$0xFFFFFFC0]  }
0x4b: {  	v3 =	vmul.u32 $0x1A000, v3;
	v4 =	vsub.s32 v7, v4;
	v7 =	vmul.u32 $0x1A, v12;
	v2 =	vld [tilespmem:s31+$0xFFFFFFF0]  }
0x4c: {  	v8 =	vsub.s32 v10, v8;
	v10 =	vsub.s32 v11, v9;
	v5 =	vsub.s32 v13, v5  }
0x4d: {  	v12 =	vmul.u32 $0x1A000, v4;
	v4 =	vsub.s32 v15, v6;
	v6 =	vsub.s32 v16, v7;
	v13 =	vld [tilespmem:s31+$0xFFFFFFD0]  }
0x4e: {  	v9 =	vmul.u32 $0x1A000, v8;
	v7 =	vmul.u32 $0x1A000, v10;
	v5 =	vmul.u32 $0x1A000, v5  }
0x4f: {  	v4 =	vmul.u32 $0x1A000, v4;
	v8 =	vshll.u32 v14, $0x3;
	v10 =	vshrl.u32 v14, $0xA;
	v15 =	vld [tilespmem:s31+$0xFFFFFFE0]  }
0x50: {  	v11 =	vand.u32 $0xFFFFE000, v14;
	v8 =	vand.u32 $0x1FF8, v8;
	v10 =	vand.u32 $0x7, v10  }
0x51: {  	v8 =	vor.u32 v8, v11;
	v10 =	vor.u32 v3, v10;
	v3 =	vmul.u32 $0x1A000, v6  }
.Ltmp0:
0x52: {  	v6 =	vadd.s32 v8, v10;
	v8 =	vshll.u32 v13, $0x3;
	v10 =	vshrl.u32 v13, $0xA;
	v11 =	vld [tilespmem:s31+$0x0];
	(pc) =	sbr.rel @p0 .LBB2_2-.Ltmp0, $4  }
0x53: {  	v13 =	vand.u32 $0xFFFFE000, v13;
	v8 =	vand.u32 $0x1FF8, v8;
	v10 =	vand.u32 $0x7, v10  }
0x54: {  	v8 =	vor.u32 v8, v13;
	v12 =	vor.u32 v12, v10;
	v10 =	vshll.u32 v15, $0x3  }
0x55: {  	v13 =	vand.u32 $0xFFFFE000, v15;
	v15 =	vshrl.u32 v15, $0xA;
	v14 =	vand.u32 $0x1FF8, v10;
	v10 =	vld [tilespmem:s31+$0x10]  }
0x56: {  	s0 =	sadd.s32 $0x80, s0;
	v8 =	vadd.s32 v8, v12;
	v12 =	vor.u32 v14, v13;
	v13 =	vand.u32 $0x7, v15  }
0x57: {  	v9 =	vor.u32 v9, v13  }
0x58: {  	v42 =	vshll.u32 v11, $0x3;
	v14 =	vshrl.u32 v11, $0xA;
	v43 =	vand.u32 $0xFFFFE000, v11  }
0x59: {  	v52 =	vmulhi.u32 $0x4EC4EC4F, v1;
	v60 =	vshll.u32 v2, $0x3;
	v61 =	vshrl.u32 v2, $0xA  }
0x5a: {  	v15 =	vld [tilespmem:s31+$0x20];
	v2 =	vand.u32 $0xFFFFE000, v2;
	v13 =	vand.u32 $0x1FF8, v42;
	v14 =	vand.u32 $0x7, v14  }
0x5b: {  	v46 =	vld [tilespmem:s31+$0x30];
	v9 =	vadd.s32 v12, v9;
	v62 =	vand.u32 $0x1FF8, v60;
	v63 =	vand.u32 $0x7, v61  }
0x5c: {  	v11 =	vor.u32 v13, v43;
	v7 =	vor.u32 v7, v14;
	v56 =	vshrl.u32 v52, $0x3  }
0x5d: {  	v44 =	vshll.u32 v10, $0x3;
	v45 =	vshrl.u32 v10, $0xA;
	v47 =	vand.u32 $0xFFFFE000, v10  }
0x5e: {  	v7 =	vadd.s32 v11, v7;
	v12 =	vand.u32 $0x1FF8, v44;
	v48 =	vand.u32 $0x7, v45  }
0x5f: {  	v10 =	vor.u32 v12, v47;
	v5 =	vor.u32 v5, v48;
	v49 =	vshll.u32 v15, $0x3  }
0x60: {  	v50 =	vand.u32 $0xFFFFE000, v15;
	v51 =	vshrl.u32 v15, $0xA;
	v55 =	vshll.u32 v46, $0x3  }
0x61: {  	[tilespmem:s31+$0xFFFFFFC0] =	vst v6;
	v57 =	vshrl.u32 v46, $0xA;
	v58 =	vand.u32 $0xFFFFE000, v46;
	v12 =	vmul.u32 $0x1A, v56  }
0x62: {  	[tilespmem:s31+$0xFFFFFFD0] =	vst v8;
	v11 =	vand.u32 $0x1FF8, v49;
	v5 =	vadd.s32 v10, v5;
	v54 =	vand.u32 $0x7, v51  }
0x63: {  	[tilespmem:s31+$0xFFFFFFE0] =	vst v9;
	v59 =	vand.u32 $0x1FF8, v55;
	v6 =	vand.u32 $0x7, v57;
	v1 =	vsub.s32 v1, v12  }
0x64: {  	[tilespmem:s31+$0x0] =	vst v7;
	v53 =	vor.u32 v11, v50;
	v4 =	vor.u32 v4, v54;
	v1 =	vmul.u32 $0x1A000, v1  }
0x65: {  	v8 =	vor.u32 v59, v58;
	v3 =	vor.u32 v3, v6;
	[tilespmem:s31+$0x10] =	vst v5;
	v4 =	vadd.s32 v53, v4  }
0x66: {  	v2 =	vor.u32 v62, v2;
	v3 =	vadd.s32 v8, v3;
	[tilespmem:s31+$0x20] =	vst v4;
	v1 =	vor.u32 v1, v63  }
0x67: {  	[tilespmem:s31+$0x30] =	vst v3;
	v1 =	vadd.s32 v2, v1  }
0x68: {  	s0 =	simm.s32 $0x0;
	[tilespmem:s31+$0xFFFFFFF0] =	vst v1  }
0x69: {  	[tilespmem:s12], [sflag:$0x1] =	stream.indirect.gather [hbm4b:s3+s11], $0x10, s0, s11, $0xb8;
	[tilespmem:$0xB400] =	vst v63  }
0x6a: {  	_ = 	snop  }
0x6b: {  	[tilespmem:s13], [sflag:$0x1] =	stream.indirect.gather [hbm4b:s3+s11], $0x10, s11, s11, $0xb8;
	[tilespmem:$0xB400] =	vst v63  }
0x6c: {  	s22 =	simm.s32 $0x100  }
0x6d: {  	[tilespmem:s15], [sflag:$0x1] =	stream.indirect.gather [hbm4b:s3+s11], $0x10, s22, s11, $0xb8;
	[tilespmem:$0xB400] =	vst v63  }
0x6e: {  	s1 =	simm.s32 $0x180  }
0x6f: {  	[tilespmem:s17], [sflag:$0x1] =	stream.indirect.gather [hbm4b:s3+s11], $0x10, s1, s11, $0xb8;
	[tilespmem:$0xB400] =	vst v63  }
0x70: {  	s14 =	simm.s32 $0x200  }
0x71: {  	[tilespmem:s19], [sflag:$0x1] =	stream.indirect.gather [hbm4b:s3+s11], $0x10, s14, s11, $0xb8;
	[tilespmem:$0xB400] =	vst v63  }
0x72: {  	s16 =	simm.s32 $0x280  }
0x73: {  	[tilespmem:s21], [sflag:$0x1] =	stream.indirect.gather [hbm4b:s3+s11], $0x10, s16, s11, $0xb8;
	[tilespmem:$0xB400] =	vst v63  }
0x74: {  	s18 =	simm.s32 $0x300  }
0x75: {  	[tilespmem:s23], [sflag:$0x1] =	stream.indirect.gather [hbm4b:s3+s11], $0x10, s18, s11, $0xb8;
	[tilespmem:$0xB400] =	vst v63  }
0x76: {  	_ = 	snop  }
0x77: {  	[tilespmem:s25], [sflag:$0x1] =	stream.indirect.gather [hbm4b:s3+s11], $0x10, s24, s11, $0xb8;
	[tilespmem:$0xB400] =	vst v63  }
0x78: {  	s1 =	simm.s32 $0x400  }
0x79: {  	[tilespmem:s26], [sflag:$0x2] =	stream.indirect.gather [hbm4b:s3+s11], $0x10, s1, s11, $0xb8;
	[tilespmem:$0xB400] =	vst v63  }
0x7a: {  	s20 =	rddreg [dreg:$0x3];
	s22 =	simm.s32 $0x480  }
0x7b: {  	[tilespmem:s20], [sflag:$0x2] =	stream.indirect.gather [hbm4b:s3+s11], $0x10, s22, s11, $0xb8;
	[tilespmem:$0xB400] =	vst v63  }
0x7c: {  	s14 =	rddreg [dreg:$0x4];
	s16 =	simm.s32 $0x500  }
0x7d: {  	[tilespmem:s14], [sflag:$0x2] =	stream.indirect.gather [hbm4b:s3+s11], $0x10, s16, s11, $0xb8;
	[tilespmem:$0xB400] =	vst v63  }
0x7e: {  	s18 =	rddreg [dreg:$0x5];
	s20 =	simm.s32 $0x580  }
0x7f: {  	[tilespmem:s18], [sflag:$0x2] =	stream.indirect.gather [hbm4b:s3+s11], $0x10, s20, s11, $0xb8;
	[tilespmem:$0xB400] =	vst v63  }
0x80: {  	s22 =	rddreg [dreg:$0x6];
	s16 =	simm.s32 $0x600  }
0x81: {  	[tilespmem:s22], [sflag:$0x2] =	stream.indirect.gather [hbm4b:s3+s11], $0x10, s16, s11, $0xb8;
	[tilespmem:$0xB400] =	vst v63  }
0x82: {  	s18 =	rddreg [dreg:$0x7];
	s20 =	simm.s32 $0x680  }
0x83: {  	[tilespmem:s18], [sflag:$0x2] =	stream.indirect.gather [hbm4b:s3+s11], $0x10, s20, s11, $0xb8;
	[tilespmem:$0xB400] =	vst v63  }
0x84: {  	s1 =	simm.s32 $0x700;
	s22 =	rddreg [dreg:$0x8]  }
0x85: {  	[tilespmem:s22], [sflag:$0x2] =	stream.indirect.gather [hbm4b:s3+s11], $0x10, s1, s11, $0xb8;
	[tilespmem:$0xB400] =	vst v63  }
0x86: {  	s16 =	rddreg [dreg:$0x9];
	s18 =	simm.s32 $0x780  }
0x87: {  	[tilespmem:s16], [sflag:$0x2] =	stream.indirect.gather [hbm4b:s3+s11], $0x10, s18, s11, $0xb8;
	[tilespmem:$0xB400] =	vst v63  }
0x88: {  	_ =	swait.ge [sflag:s28], $0x800  }
0x89: {  	[sflag:s28] =	ssyncset.done $0x0  }
0x8a: {  	[sflag:s28] =	ssyncadd.s32 $0xFFFFF800  }
0x8b: {  	_ =	swait.ge [sflag:s28], $0x800  }
0x8c: {  	[sflag:s28] =	ssyncset.done $0x0  }
0x8d: {  	[sflag:s28] =	ssyncadd.s32 $0xFFFFF800  }
0x8e: {  	_ =	swait.ge [sflag:s28], $0x800  }
0x8f: {  	[sflag:s28] =	ssyncset.done $0x0  }
0x90: {  	[sflag:s28] =	ssyncadd.s32 $0xFFFFF800  }
0x91: {  	_ =	swait.ge [sflag:s28], $0x800  }
0x92: {  	[sflag:s28] =	ssyncset.done $0x0  }
0x93: {  	[sflag:s28] =	ssyncadd.s32 $0xFFFFF800  }
0x94: {  	_ =	swait.ge [sflag:s28], $0x800  }
0x95: {  	[sflag:s28] =	ssyncset.done $0x0  }
0x96: {  	[sflag:s28] =	ssyncadd.s32 $0xFFFFF800  }
0x97: {  	_ =	swait.ge [sflag:s28], $0x800  }
0x98: {  	[sflag:s28] =	ssyncset.done $0x0  }
0x99: {  	[sflag:s28] =	ssyncadd.s32 $0xFFFFF800  }
0x9a: {  	_ =	swait.ge [sflag:s28], $0x800  }
0x9b: {  	[sflag:s28] =	ssyncset.done $0x0  }
0x9c: {  	[sflag:s28] =	ssyncadd.s32 $0xFFFFF800  }
0x9d: {  	_ =	swait.ge [sflag:s28], $0x800  }
0x9e: {  	[sflag:s28] =	ssyncset.done $0x0  }
0x9f: {  	[sflag:s28] =	ssyncadd.s32 $0xFFFFF800  }
0xa0: {  	[hbm4b:s8+s2] =	stream.linear.scatter [tilespmem:s12], [sflag:$0x3], $0x4000, $0x38;
	[tilespmem:$0xB400] =	vst v63  }
0xa1: {  	_ =	swait.ge [sflag:s10], $0x4000  }
0xa2: {  	[sflag:s10] =	ssyncset.done $0x0  }
0xa3: {  	s20 =	simm.s32 $0x800;
	[sflag:s10] =	ssyncadd.s32 $0xFFFFC000  }
0xa4: {  	[tilespmem:s12], [sflag:$0x1] =	stream.indirect.gather [hbm4b:s3+s11], $0x10, s20, s11, $0xb8;
	[tilespmem:$0xB400] =	vst v63  }
0xa5: {  	s22 =	simm.s32 $0x880  }
0xa6: {  	[tilespmem:s13], [sflag:$0x1] =	stream.indirect.gather [hbm4b:s3+s11], $0x10, s22, s11, $0xb8;
	[tilespmem:$0xB400] =	vst v63  }
0xa7: {  	s1 =	simm.s32 $0x900  }
0xa8: {  	[tilespmem:s15], [sflag:$0x1] =	stream.indirect.gather [hbm4b:s3+s11], $0x10, s1, s11, $0xb8;
	[tilespmem:$0xB400] =	vst v63  }
0xa9: {  	s14 =	simm.s32 $0x980  }
0xaa: {  	[tilespmem:s17], [sflag:$0x1] =	stream.indirect.gather [hbm4b:s3+s11], $0x10, s14, s11, $0xb8;
	[tilespmem:$0xB400] =	vst v63  }
0xab: {  	s16 =	simm.s32 $0xA00  }
0xac: {  	[tilespmem:s19], [sflag:$0x1] =	stream.indirect.gather [hbm4b:s3+s11], $0x10, s16, s11, $0xb8;
	[tilespmem:$0xB400] =	vst v63  }
0xad: {  	s18 =	simm.s32 $0xA80  }
0xae: {  	[tilespmem:s21], [sflag:$0x1] =	stream.indirect.gather [hbm4b:s3+s11], $0x10, s18, s11, $0xb8;
	[tilespmem:$0xB400] =	vst v63  }
0xaf: {  	s20 =	simm.s32 $0xB00  }
0xb0: {  	[tilespmem:s23], [sflag:$0x1] =	stream.indirect.gather [hbm4b:s3+s11], $0x10, s20, s11, $0xb8;
	[tilespmem:$0xB400] =	vst v63  }
0xb1: {  	s22 =	simm.s32 $0xB80  }
0xb2: {  	[tilespmem:s25], [sflag:$0x1] =	stream.indirect.gather [hbm4b:s3+s11], $0x10, s22, s11, $0xb8;
	[tilespmem:$0xB400] =	vst v63  }
0xb3: {  	_ =	swait.ge [sflag:s29], $0x800  }
0xb4: {  	[sflag:s29] =	ssyncset.done $0x0  }
0xb5: {  	[sflag:s29] =	ssyncadd.s32 $0xFFFFF800  }
0xb6: {  	_ =	swait.ge [sflag:s29], $0x800  }
0xb7: {  	[sflag:s29] =	ssyncset.done $0x0  }
0xb8: {  	[sflag:s29] =	ssyncadd.s32 $0xFFFFF800  }
0xb9: {  	_ =	swait.ge [sflag:s29], $0x800  }
0xba: {  	[sflag:s29] =	ssyncset.done $0x0  }
0xbb: {  	[sflag:s29] =	ssyncadd.s32 $0xFFFFF800  }
0xbc: {  	_ =	swait.ge [sflag:s29], $0x800  }
0xbd: {  	[sflag:s29] =	ssyncset.done $0x0  }
0xbe: {  	[sflag:s29] =	ssyncadd.s32 $0xFFFFF800  }
0xbf: {  	_ =	swait.ge [sflag:s29], $0x800  }
0xc0: {  	[sflag:s29] =	ssyncset.done $0x0  }
0xc1: {  	[sflag:s29] =	ssyncadd.s32 $0xFFFFF800  }
0xc2: {  	_ =	swait.ge [sflag:s29], $0x800  }
0xc3: {  	[sflag:s29] =	ssyncset.done $0x0  }
0xc4: {  	[sflag:s29] =	ssyncadd.s32 $0xFFFFF800  }
0xc5: {  	_ =	swait.ge [sflag:s29], $0x800  }
0xc6: {  	[sflag:s29] =	ssyncset.done $0x0  }
0xc7: {  	[sflag:s29] =	ssyncadd.s32 $0xFFFFF800  }
0xc8: {  	_ =	swait.ge [sflag:s29], $0x800  }
0xc9: {  	[sflag:s29] =	ssyncset.done $0x0  }
0xca: {  	s31 =	sadd.s32 $0x1000, s9;
	[sflag:s29] =	ssyncadd.s32 $0xFFFFF800  }
0xcb: {  	[hbm4b:s9+s2] =	stream.linear.scatter [tilespmem:s26], [sflag:$0x3], $0x4000, $0x38;
	[tilespmem:$0xB400] =	vst v63  }
0xcc: {  	s0 =	simm.s32 $0x800;
	s1 =	sadd.s32 $0x1000, s8;
	_ =	swait.ge [sflag:s10], $0x4000  }
0xcd: {  	s14 =	simm.s32 $0x4000;
	s18 =	rddreg [dreg:$0x3];
	[sflag:s10] =	ssyncset.done $0x0  }
.LBB2_4:
0xce: {  	s22 =	sadd.s32 $0x400, s0;
	[sflag:s10] =	ssyncadd.s32 $0xFFFFC000;
	s16 =	smov.u32 s14  }
0xcf: {  	[tilespmem:s26], [sflag:$0x2] =	stream.indirect.gather [hbm4b:s3+s11], $0x10, s22, s11, $0xb8;
	[tilespmem:$0xB400] =	vst v63  }
0xd0: {  	s20 =	sadd.s32 $0x2000, s14;
	p0 =	sne.s32 s14, $0xA000;
	s14 =	sadd.s32 $0x480, s0  }
0xd1: {  	[tilespmem:s18], [sflag:$0x2] =	stream.indirect.gather [hbm4b:s3+s11], $0x10, s14, s11, $0xb8;
	[tilespmem:$0xB400] =	vst v63  }
0xd2: {  	s22 =	rddreg [dreg:$0x4];
	s14 =	sadd.s32 $0x500, s0  }
0xd3: {  	[tilespmem:s22], [sflag:$0x2] =	stream.indirect.gather [hbm4b:s3+s11], $0x10, s14, s11, $0xb8;
	[tilespmem:$0xB400] =	vst v63  }
0xd4: {  	s18 =	rddreg [dreg:$0x5];
	s14 =	sadd.s32 $0x580, s0  }
0xd5: {  	[tilespmem:s18], [sflag:$0x2] =	stream.indirect.gather [hbm4b:s3+s11], $0x10, s14, s11, $0xb8;
	[tilespmem:$0xB400] =	vst v63  }
0xd6: {  	s22 =	rddreg [dreg:$0x6];
	s14 =	sadd.s32 $0x600, s0  }
0xd7: {  	[tilespmem:s22], [sflag:$0x2] =	stream.indirect.gather [hbm4b:s3+s11], $0x10, s14, s11, $0xb8;
	[tilespmem:$0xB400] =	vst v63  }
0xd8: {  	s18 =	rddreg [dreg:$0x7];
	s14 =	sadd.s32 $0x680, s0  }
0xd9: {  	[tilespmem:s18], [sflag:$0x2] =	stream.indirect.gather [hbm4b:s3+s11], $0x10, s14, s11, $0xb8;
	[tilespmem:$0xB400] =	vst v63  }
0xda: {  	s22 =	rddreg [dreg:$0x8];
	s14 =	sadd.s32 $0x700, s0  }
0xdb: {  	[tilespmem:s22], [sflag:$0x2] =	stream.indirect.gather [hbm4b:s3+s11], $0x10, s14, s11, $0xb8;
	[tilespmem:$0xB400] =	vst v63  }
0xdc: {  	s18 =	rddreg [dreg:$0x9];
	s22 =	sadd.s32 $0x780, s0  }
0xdd: {  	[tilespmem:s18], [sflag:$0x2] =	stream.indirect.gather [hbm4b:s3+s11], $0x10, s22, s11, $0xb8;
	[tilespmem:$0xB400] =	vst v63  }
0xde: {  	_ =	swait.ge [sflag:s28], $0x800  }
0xdf: {  	[sflag:s28] =	ssyncset.done $0x0  }
0xe0: {  	[sflag:s28] =	ssyncadd.s32 $0xFFFFF800  }
0xe1: {  	_ =	swait.ge [sflag:s28], $0x800  }
0xe2: {  	[sflag:s28] =	ssyncset.done $0x0  }
0xe3: {  	[sflag:s28] =	ssyncadd.s32 $0xFFFFF800  }
0xe4: {  	_ =	swait.ge [sflag:s28], $0x800  }
0xe5: {  	[sflag:s28] =	ssyncset.done $0x0  }
0xe6: {  	[sflag:s28] =	ssyncadd.s32 $0xFFFFF800  }
0xe7: {  	_ =	swait.ge [sflag:s28], $0x800  }
0xe8: {  	[sflag:s28] =	ssyncset.done $0x0  }
0xe9: {  	[sflag:s28] =	ssyncadd.s32 $0xFFFFF800  }
0xea: {  	_ =	swait.ge [sflag:s28], $0x800  }
0xeb: {  	[sflag:s28] =	ssyncset.done $0x0  }
0xec: {  	[sflag:s28] =	ssyncadd.s32 $0xFFFFF800  }
0xed: {  	_ =	swait.ge [sflag:s28], $0x800  }
0xee: {  	[sflag:s28] =	ssyncset.done $0x0  }
0xef: {  	[sflag:s28] =	ssyncadd.s32 $0xFFFFF800  }
0xf0: {  	_ =	swait.ge [sflag:s28], $0x800  }
0xf1: {  	[sflag:s28] =	ssyncset.done $0x0  }
0xf2: {  	[sflag:s28] =	ssyncadd.s32 $0xFFFFF800  }
0xf3: {  	_ =	swait.ge [sflag:s28], $0x800  }
0xf4: {  	[sflag:s28] =	ssyncset.done $0x0  }
0xf5: {  	[sflag:s28] =	ssyncadd.s32 $0xFFFFF800  }
0xf6: {  	[hbm4b:s1+s2] =	stream.linear.scatter [tilespmem:s12], [sflag:$0x3], $0x4000, $0x38;
	[tilespmem:$0xB400] =	vst v63  }
0xf7: {  	_ =	swait.ge [sflag:s10], $0x4000  }
0xf8: {  	[sflag:s10] =	ssyncset.done $0x0  }
0xf9: {  	s18 =	sadd.s32 $0x800, s0;
	[sflag:s10] =	ssyncadd.s32 $0xFFFFC000  }
0xfa: {  	[tilespmem:s12], [sflag:$0x1] =	stream.indirect.gather [hbm4b:s3+s11], $0x10, s18, s11, $0xb8;
	[tilespmem:$0xB400] =	vst v63  }
0xfb: {  	s22 =	sadd.s32 $0x880, s0  }
0xfc: {  	[tilespmem:s13], [sflag:$0x1] =	stream.indirect.gather [hbm4b:s3+s11], $0x10, s22, s11, $0xb8;
	[tilespmem:$0xB400] =	vst v63  }
0xfd: {  	s18 =	sadd.s32 $0x900, s0  }
0xfe: {  	[tilespmem:s15], [sflag:$0x1] =	stream.indirect.gather [hbm4b:s3+s11], $0x10, s18, s11, $0xb8;
	[tilespmem:$0xB400] =	vst v63  }
0xff: {  	s22 =	sadd.s32 $0x980, s0  }
0x100: {  	[tilespmem:s17], [sflag:$0x1] =	stream.indirect.gather [hbm4b:s3+s11], $0x10, s22, s11, $0xb8;
	[tilespmem:$0xB400] =	vst v63  }
0x101: {  	s18 =	sadd.s32 $0xA00, s0  }
0x102: {  	[tilespmem:s19], [sflag:$0x1] =	stream.indirect.gather [hbm4b:s3+s11], $0x10, s18, s11, $0xb8;
	[tilespmem:$0xB400] =	vst v63  }
0x103: {  	s22 =	sadd.s32 $0xA80, s0  }
0x104: {  	[tilespmem:s21], [sflag:$0x1] =	stream.indirect.gather [hbm4b:s3+s11], $0x10, s22, s11, $0xb8;
	[tilespmem:$0xB400] =	vst v63  }
0x105: {  	s18 =	sadd.s32 $0xB00, s0  }
0x106: {  	[tilespmem:s23], [sflag:$0x1] =	stream.indirect.gather [hbm4b:s3+s11], $0x10, s18, s11, $0xb8;
	[tilespmem:$0xB400] =	vst v63  }
0x107: {  	s22 =	sadd.s32 $0xB80, s0  }
0x108: {  	[tilespmem:s25], [sflag:$0x1] =	stream.indirect.gather [hbm4b:s3+s11], $0x10, s22, s11, $0xb8;
	[tilespmem:$0xB400] =	vst v63  }
0x109: {  	_ =	swait.ge [sflag:s29], $0x800  }
0x10a: {  	[sflag:s29] =	ssyncset.done $0x0  }
0x10b: {  	[sflag:s29] =	ssyncadd.s32 $0xFFFFF800  }
0x10c: {  	_ =	swait.ge [sflag:s29], $0x800  }
0x10d: {  	[sflag:s29] =	ssyncset.done $0x0  }
0x10e: {  	[sflag:s29] =	ssyncadd.s32 $0xFFFFF800  }
0x10f: {  	_ =	swait.ge [sflag:s29], $0x800  }
0x110: {  	[sflag:s29] =	ssyncset.done $0x0  }
0x111: {  	[sflag:s29] =	ssyncadd.s32 $0xFFFFF800  }
0x112: {  	_ =	swait.ge [sflag:s29], $0x800  }
0x113: {  	[sflag:s29] =	ssyncset.done $0x0  }
0x114: {  	[sflag:s29] =	ssyncadd.s32 $0xFFFFF800  }
0x115: {  	_ =	swait.ge [sflag:s29], $0x800  }
0x116: {  	[sflag:s29] =	ssyncset.done $0x0  }
0x117: {  	[sflag:s29] =	ssyncadd.s32 $0xFFFFF800  }
0x118: {  	_ =	swait.ge [sflag:s29], $0x800  }
0x119: {  	[sflag:s29] =	ssyncset.done $0x0  }
0x11a: {  	[sflag:s29] =	ssyncadd.s32 $0xFFFFF800  }
0x11b: {  	_ =	swait.ge [sflag:s29], $0x800  }
0x11c: {  	[sflag:s29] =	ssyncset.done $0x0  }
0x11d: {  	[sflag:s29] =	ssyncadd.s32 $0xFFFFF800  }
0x11e: {  	_ =	swait.ge [sflag:s29], $0x800  }
.Ltmp1:
0x11f: {  	[sflag:s29] =	ssyncset.done $0x0;
	(pc) =	sbr.rel @p0 .LBB2_4-.Ltmp1, $4  }
0x120: {  	s14 =	smov.u32 s20;
	[sflag:s29] =	ssyncadd.s32 $0xFFFFF800  }
0x121: {  	[hbm4b:s31+s2] =	stream.linear.scatter [tilespmem:s26], [sflag:$0x3], $0x4000, $0x38;
	[tilespmem:$0xB400] =	vst v63  }
0x122: {  	s1 =	sadd.s32 $0x1000, s1;
	s0 =	sshra.s32 s16, $0x2;
	_ =	swait.ge [sflag:s10], $0x4000  }
0x123: {  	s31 =	sadd.s32 $0x1000, s31;
	s18 =	rddreg [dreg:$0x3];
	[sflag:s10] =	ssyncset.done $0x0  }
0x124: {  	s14 =	sadd.s32 $0x400, s0;
	[sflag:s10] =	ssyncadd.s32 $0xFFFFC000  }
0x125: {  	[tilespmem:s26], [sflag:$0x2] =	stream.indirect.gather [hbm4b:s3+s11], $0x10, s14, s11, $0xb8;
	[tilespmem:$0xB400] =	vst v63  }
0x126: {  	s20 =	sadd.s32 $0x480, s0  }
0x127: {  	[tilespmem:s18], [sflag:$0x2] =	stream.indirect.gather [hbm4b:s3+s11], $0x10, s20, s11, $0xb8;
	[tilespmem:$0xB400] =	vst v63  }
0x128: {  	s16 =	rddreg [dreg:$0x4];
	s22 =	sadd.s32 $0x500, s0  }
0x129: {  	[tilespmem:s16], [sflag:$0x2] =	stream.indirect.gather [hbm4b:s3+s11], $0x10, s22, s11, $0xb8;
	[tilespmem:$0xB400] =	vst v63  }
0x12a: {  	s18 =	rddreg [dreg:$0x5];
	s20 =	sadd.s32 $0x580, s0  }
0x12b: {  	[tilespmem:s18], [sflag:$0x2] =	stream.indirect.gather [hbm4b:s3+s11], $0x10, s20, s11, $0xb8;
	[tilespmem:$0xB400] =	vst v63  }
0x12c: {  	s22 =	rddreg [dreg:$0x6];
	s18 =	sadd.s32 $0x600, s0  }
0x12d: {  	[tilespmem:s22], [sflag:$0x2] =	stream.indirect.gather [hbm4b:s3+s11], $0x10, s18, s11, $0xb8;
	[tilespmem:$0xB400] =	vst v63  }
0x12e: {  	s20 =	rddreg [dreg:$0x7];
	s22 =	sadd.s32 $0x680, s0  }
0x12f: {  	[tilespmem:s20], [sflag:$0x2] =	stream.indirect.gather [hbm4b:s3+s11], $0x10, s22, s11, $0xb8;
	[tilespmem:$0xB400] =	vst v63  }
0x130: {  	s16 =	rddreg [dreg:$0x8];
	s20 =	sadd.s32 $0x700, s0  }
0x131: {  	[tilespmem:s16], [sflag:$0x2] =	stream.indirect.gather [hbm4b:s3+s11], $0x10, s20, s11, $0xb8;
	[tilespmem:$0xB400] =	vst v63  }
0x132: {  	s22 =	rddreg [dreg:$0x9];
	s16 =	sadd.s32 $0x780, s0  }
0x133: {  	[tilespmem:s22], [sflag:$0x2] =	stream.indirect.gather [hbm4b:s3+s11], $0x10, s16, s11, $0xb8;
	[tilespmem:$0xB400] =	vst v63  }
0x134: {  	_ =	swait.ge [sflag:s28], $0x800  }
0x135: {  	[sflag:s28] =	ssyncset.done $0x0  }
0x136: {  	[sflag:s28] =	ssyncadd.s32 $0xFFFFF800  }
0x137: {  	_ =	swait.ge [sflag:s28], $0x800  }
0x138: {  	[sflag:s28] =	ssyncset.done $0x0  }
0x139: {  	[sflag:s28] =	ssyncadd.s32 $0xFFFFF800  }
0x13a: {  	_ =	swait.ge [sflag:s28], $0x800  }
0x13b: {  	[sflag:s28] =	ssyncset.done $0x0  }
0x13c: {  	[sflag:s28] =	ssyncadd.s32 $0xFFFFF800  }
0x13d: {  	_ =	swait.ge [sflag:s28], $0x800  }
0x13e: {  	[sflag:s28] =	ssyncset.done $0x0  }
0x13f: {  	[sflag:s28] =	ssyncadd.s32 $0xFFFFF800  }
0x140: {  	_ =	swait.ge [sflag:s28], $0x800  }
0x141: {  	[sflag:s28] =	ssyncset.done $0x0  }
0x142: {  	[sflag:s28] =	ssyncadd.s32 $0xFFFFF800  }
0x143: {  	_ =	swait.ge [sflag:s28], $0x800  }
0x144: {  	[sflag:s28] =	ssyncset.done $0x0  }
0x145: {  	[sflag:s28] =	ssyncadd.s32 $0xFFFFF800  }
0x146: {  	_ =	swait.ge [sflag:s28], $0x800  }
0x147: {  	[sflag:s28] =	ssyncset.done $0x0  }
0x148: {  	[sflag:s28] =	ssyncadd.s32 $0xFFFFF800  }
0x149: {  	_ =	swait.ge [sflag:s28], $0x800  }
0x14a: {  	[sflag:s28] =	ssyncset.done $0x0  }
0x14b: {  	[sflag:s28] =	ssyncadd.s32 $0xFFFFF800  }
0x14c: {  	[hbm4b:s1+s2] =	stream.linear.scatter [tilespmem:s12], [sflag:$0x3], $0x4000, $0x38;
	[tilespmem:$0xB400] =	vst v63  }
0x14d: {  	_ =	swait.ge [sflag:s10], $0x4000  }
0x14e: {  	[sflag:s10] =	ssyncset.done $0x0  }
0x14f: {  	s18 =	sadd.s32 $0x800, s0;
	[sflag:s10] =	ssyncadd.s32 $0xFFFFC000  }
0x150: {  	[tilespmem:s12], [sflag:$0x1] =	stream.indirect.gather [hbm4b:s3+s11], $0x10, s18, s11, $0xb8;
	[tilespmem:$0xB400] =	vst v63  }
0x151: {  	s20 =	sadd.s32 $0x880, s0  }
0x152: {  	[tilespmem:s13], [sflag:$0x1] =	stream.indirect.gather [hbm4b:s3+s11], $0x10, s20, s11, $0xb8;
	[tilespmem:$0xB400] =	vst v63  }
0x153: {  	s22 =	sadd.s32 $0x900, s0  }
0x154: {  	[tilespmem:s15], [sflag:$0x1] =	stream.indirect.gather [hbm4b:s3+s11], $0x10, s22, s11, $0xb8;
	[tilespmem:$0xB400] =	vst v63  }
0x155: {  	s14 =	sadd.s32 $0x980, s0  }
0x156: {  	[tilespmem:s17], [sflag:$0x1] =	stream.indirect.gather [hbm4b:s3+s11], $0x10, s14, s11, $0xb8;
	[tilespmem:$0xB400] =	vst v63  }
0x157: {  	s16 =	sadd.s32 $0xA00, s0  }
0x158: {  	[tilespmem:s19], [sflag:$0x1] =	stream.indirect.gather [hbm4b:s3+s11], $0x10, s16, s11, $0xb8;
	[tilespmem:$0xB400] =	vst v63  }
0x159: {  	s18 =	sadd.s32 $0xA80, s0  }
0x15a: {  	[tilespmem:s21], [sflag:$0x1] =	stream.indirect.gather [hbm4b:s3+s11], $0x10, s18, s11, $0xb8;
	[tilespmem:$0xB400] =	vst v63  }
0x15b: {  	s20 =	sadd.s32 $0xB00, s0  }
0x15c: {  	[tilespmem:s23], [sflag:$0x1] =	stream.indirect.gather [hbm4b:s3+s11], $0x10, s20, s11, $0xb8;
	[tilespmem:$0xB400] =	vst v63  }
0x15d: {  	s22 =	sadd.s32 $0xB80, s0  }
0x15e: {  	[tilespmem:s25], [sflag:$0x1] =	stream.indirect.gather [hbm4b:s3+s11], $0x10, s22, s11, $0xb8;
	[tilespmem:$0xB400] =	vst v63  }
0x15f: {  	_ =	swait.ge [sflag:s29], $0x800  }
0x160: {  	[sflag:s29] =	ssyncset.done $0x0  }
0x161: {  	[sflag:s29] =	ssyncadd.s32 $0xFFFFF800  }
0x162: {  	_ =	swait.ge [sflag:s29], $0x800  }
0x163: {  	[sflag:s29] =	ssyncset.done $0x0  }
0x164: {  	[sflag:s29] =	ssyncadd.s32 $0xFFFFF800  }
0x165: {  	_ =	swait.ge [sflag:s29], $0x800  }
0x166: {  	[sflag:s29] =	ssyncset.done $0x0  }
0x167: {  	[sflag:s29] =	ssyncadd.s32 $0xFFFFF800  }
0x168: {  	_ =	swait.ge [sflag:s29], $0x800  }
0x169: {  	[sflag:s29] =	ssyncset.done $0x0  }
0x16a: {  	[sflag:s29] =	ssyncadd.s32 $0xFFFFF800  }
0x16b: {  	_ =	swait.ge [sflag:s29], $0x800  }
0x16c: {  	[sflag:s29] =	ssyncset.done $0x0  }
0x16d: {  	[sflag:s29] =	ssyncadd.s32 $0xFFFFF800  }
0x16e: {  	_ =	swait.ge [sflag:s29], $0x800  }
0x16f: {  	[sflag:s29] =	ssyncset.done $0x0  }
0x170: {  	[sflag:s29] =	ssyncadd.s32 $0xFFFFF800  }
0x171: {  	_ =	swait.ge [sflag:s29], $0x800  }
0x172: {  	[sflag:s29] =	ssyncset.done $0x0  }
0x173: {  	[sflag:s29] =	ssyncadd.s32 $0xFFFFF800  }
0x174: {  	_ =	swait.ge [sflag:s29], $0x800  }
0x175: {  	[sflag:s29] =	ssyncset.done $0x0  }
0x176: {  	[sflag:s29] =	ssyncadd.s32 $0xFFFFF800  }
0x177: {  	[hbm4b:s31+s2] =	stream.linear.scatter [tilespmem:s26], [sflag:$0x3], $0x4000, $0x38;
	[tilespmem:$0xB400] =	vst v63  }
0x178: {  	_ =	swait.ge [sflag:s10], $0x4000  }
0x179: {  	[sflag:s10] =	ssyncset.done $0x0  }
0x17a: {  	[sflag:s10] =	ssyncadd.s32 $0xFFFFC000  }
0x17b: {  	_ =	swait.ge [sflag:s28], $0x800  }
0x17c: {  	[sflag:s28] =	ssyncset.done $0x0  }
0x17d: {  	[sflag:s28] =	ssyncadd.s32 $0xFFFFF800  }
0x17e: {  	_ =	swait.ge [sflag:s28], $0x800  }
0x17f: {  	[sflag:s28] =	ssyncset.done $0x0  }
0x180: {  	[sflag:s28] =	ssyncadd.s32 $0xFFFFF800  }
0x181: {  	_ =	swait.ge [sflag:s28], $0x800  }
0x182: {  	[sflag:s28] =	ssyncset.done $0x0  }
0x183: {  	[sflag:s28] =	ssyncadd.s32 $0xFFFFF800  }
0x184: {  	_ =	swait.ge [sflag:s28], $0x800  }
0x185: {  	[sflag:s28] =	ssyncset.done $0x0  }
0x186: {  	[sflag:s28] =	ssyncadd.s32 $0xFFFFF800  }
0x187: {  	_ =	swait.ge [sflag:s28], $0x800  }
0x188: {  	[sflag:s28] =	ssyncset.done $0x0  }
0x189: {  	[sflag:s28] =	ssyncadd.s32 $0xFFFFF800  }
0x18a: {  	_ =	swait.ge [sflag:s28], $0x800  }
0x18b: {  	[sflag:s28] =	ssyncset.done $0x0  }
0x18c: {  	[sflag:s28] =	ssyncadd.s32 $0xFFFFF800  }
0x18d: {  	_ =	swait.ge [sflag:s28], $0x800  }
0x18e: {  	[sflag:s28] =	ssyncset.done $0x0  }
0x18f: {  	[sflag:s28] =	ssyncadd.s32 $0xFFFFF800  }
0x190: {  	s30 =	sadd.s32 $0x1, s30;
	_ =	swait.ge [sflag:s28], $0x800  }
0x191: {  	p0 =	sne.s32 s30, s6;
	[sflag:s28] =	ssyncset.done $0x0  }
.Ltmp2:
0x192: {  	[sflag:s28] =	ssyncadd.s32 $0xFFFFF800;
	(pc) =	sbr.rel @p0 .LBB2_1-.Ltmp2, $4  }
0x193: {  	[hbm4b:s5+s2] =	stream.linear.scatter [tilespmem:s12], [sflag:$0x3], $0x4000, $0x38;
	[tilespmem:$0xB400] =	vst v63  }
0x194: {  	_ =	swait.ge [sflag:s10], $0x4000  }
0x195: {  	[sflag:s10] =	ssyncset.done $0x0  }
0x196: {  	[sflag:s10] =	ssyncadd.s32 $0xFFFFC000  }
0x197: {  	_ =	sfence.sel $0x180000  }
0x198: {  	[bflag:$0x0] =	sbarrier.arrive $0xFFFF  }
0x199: {  	_ =	strace $0x90000047  }
0x19a: {  	s0 =	stileid.u32;
	[bflag:$0x2] =	sbarrier.arrive $0xFFFF  }
0x19b: {  	p0 =	sne.s32 s0, $0x0;
	s0 =	rddreg [dreg:$0x2]  }
0x19c: {  	s0 =	sadd.s32 @!p0 $0x100000, s0  }
0x19d: {  	[sflag:s0] =	ssyncadd.tile.s32 @!p0 $0x1;
	_ =	shalt  }
.Lfunc_end2:
_tile_overlayer_lowered:
.L_overlay_start_2:
0x19e: {  	(tag) =	ssettag $0x2  }
0x19f: {  	s0 =	rddreg [dreg:$0x0];
	s2 =	stileid.u32  }
0x1a0: {  	s1 =	rddreg [dreg:$0x1];
	p0 =	sne.s32 s2, $0x0  }
0x1a1: {  	s3 =	rddreg [dreg:$0x2];
	[bflag:$0x3] =	sbarrier.arrive $0xFFFF;
	s2 =	simm.s32 @!p0 $0x1C03  }
0x1a2: {  	[timem:s3], [sflag:s2] =	dma.local @!p0 [hbm:s0], s1  }
0x1a3: {  	s0 =	simm.s32 @!p0 $0x3  }
0x1a4: {  	_ =	swait.ge @!p0 [sflag:s0], s1  }
0x1a5: {  	s1 =	ssub.s32 @!p0 $0x0, s1;
	[sflag:s0] =	ssyncset.done @!p0 $0x0  }
0x1a6: {  	[sflag:s0] =	ssyncadd.s32 @!p0 s1  }
0x1a7: {  	[bflag:$0x3] =	sbarrier.arrive $0xFFFF  }
0x1a8: {  	_ =	shalt  }

</sc_bundles>
